<compile_context>
chip_gen: v7x
topology: tpu7x:2x2x1
jax: 0.10.2.dev20260603
libtpu: 0.0.44.dev20260713+nightly
codegen_flags: <defaults>
</compile_context>

<pallas_src>
import functools

import jax
import jax.numpy as jnp
from jax import lax
from jax.experimental import pallas as pl
from jax.experimental.pallas import tpu as pltpu
from jax.experimental.pallas import tpu_sc as plsc

EMBED = 32
LANES = 16
NUM_CORES = 2
NUM_SUBCORES = 16
NUM_WORKERS = NUM_CORES * NUM_SUBCORES
CHUNK = 1280
NBUF = 2


def _relu_slot(rows_v, b):
  @plsc.parallel_loop(0, CHUNK, unroll=8)
  def _(i):
    for h in range(EMBED // LANES):
      sl = (b, i, pl.ds(h * LANES, LANES))
      rows_v[sl] = jnp.maximum(rows_v[sl], 0.0)


def _phase(nchunks, base, prep, table, out, idx_v, rows_v, gsems, osems):

  def start_gather(slot):
    pltpu.async_copy(table.at[idx_v.at[slot]], rows_v.at[slot], gsems[slot])

  def wait_gather(slot):
    pltpu.make_async_copy(
        table.at[idx_v.at[slot]], rows_v.at[slot], gsems[slot]).wait()

  def start_out(c, slot):
    off = base + c * CHUNK
    pltpu.async_copy(rows_v.at[slot],
                     out.at[pl.ds(off, CHUNK), pl.ds(0, EMBED)], osems[slot])

  def wait_out(slot):
    pltpu.make_async_copy(
        rows_v.at[slot],
        out.at[pl.ds(base, CHUNK), pl.ds(0, EMBED)], osems[slot]).wait()

  prep(0, 0)
  start_gather(0)

  def outer(g, carry):
    for b in range(NBUF):
      c = g * NBUF + b
      cn = c + 1
      sn = (b + 1) % NBUF

      @pl.when(cn < nchunks)
      def _():
        @pl.when(cn >= NBUF)
        def _():
          wait_out(sn)
        prep(cn, sn)
        start_gather(sn)

      wait_gather(b)
      _relu_slot(rows_v, b)
      start_out(c, b)
    return carry

  lax.fori_loop(0, nchunks // NBUF, outer, 0)
  for b in range(NBUF):
    wait_out(b)


def _pred_body(vv_hbm, vt_hbm, wp_hbm, outp_hbm,
               idx_v, vv_v, vt_v, rows_v,
               gsem0, gsem1, osem0, osem1, *, n_rows):
  rows_per_w = n_rows // NUM_WORKERS
  nchunks = rows_per_w // CHUNK
  wid = lax.axis_index("s") * NUM_CORES + lax.axis_index("c")
  base = wid * rows_per_w

  def prep_pred(c, slot):
    off = base + c * CHUNK
    pltpu.sync_copy(vv_hbm.at[pl.ds(off, CHUNK)], vv_v)
    pltpu.sync_copy(vt_hbm.at[pl.ds(off, CHUNK)], vt_v)

    @plsc.parallel_loop(0, CHUNK // LANES, unroll=8)
    def _(j):
      sl = pl.ds(j * LANES, LANES)
      idx_v[slot, sl] = vv_v[sl] * vt_v[sl]

  _phase(nchunks, base, prep_pred, wp_hbm, outp_hbm,
         idx_v, rows_v, (gsem0, gsem1), (osem0, osem1))


def _obj_body(oc_hbm, wo_hbm, outo_hbm,
              idx_v, rows_v,
              gsem0, gsem1, osem0, osem1, *, n_rows):
  rows_per_w = n_rows // NUM_WORKERS
  nchunks = rows_per_w // CHUNK
  wid = lax.axis_index("s") * NUM_CORES + lax.axis_index("c")
  base = wid * rows_per_w

  def prep_obj(c, slot):
    off = base + c * CHUNK
    pltpu.sync_copy(oc_hbm.at[pl.ds(off, CHUNK)], idx_v.at[slot])

  _phase(nchunks, base, prep_obj, wo_hbm, outo_hbm,
         idx_v, rows_v, (gsem0, gsem1), (osem0, osem1))


def kernel(var_val, var_type, object_class, W_pred, W_obj):
  B, L = var_val.shape
  n = B * L
  vv = var_val.reshape(n)
  vt = var_type.reshape(n)
  oc = object_class.reshape(n)

  mesh = plsc.VectorSubcoreMesh(core_axis_name="c", subcore_axis_name="s")
  out_t = jax.ShapeDtypeStruct((n, 128), jnp.float32)
  run_pred = pl.kernel(
      functools.partial(_pred_body, n_rows=n),
      out_type=out_t,
      mesh=mesh,
      compiler_params=pltpu.CompilerParams(use_tc_tiling_on_sc=False),
      scratch_types=[
          pltpu.VMEM((NBUF, CHUNK), jnp.int32),
          pltpu.VMEM((CHUNK,), jnp.int32),
          pltpu.VMEM((CHUNK,), jnp.int32),
          pltpu.VMEM((NBUF, CHUNK, EMBED), jnp.float32),
          pltpu.SemaphoreType.DMA,
          pltpu.SemaphoreType.DMA,
          pltpu.SemaphoreType.DMA,
          pltpu.SemaphoreType.DMA,
      ],
  )
  run_obj = pl.kernel(
      functools.partial(_obj_body, n_rows=n),
      out_type=out_t,
      mesh=mesh,
      compiler_params=pltpu.CompilerParams(use_tc_tiling_on_sc=False),
      scratch_types=[
          pltpu.VMEM((NBUF, CHUNK), jnp.int32),
          pltpu.VMEM((NBUF, CHUNK, EMBED), jnp.float32),
          pltpu.SemaphoreType.DMA,
          pltpu.SemaphoreType.DMA,
          pltpu.SemaphoreType.DMA,
          pltpu.SemaphoreType.DMA,
      ],
  )
  h_p = run_pred(vv, vt, W_pred)
  h_o = run_obj(oc, W_obj)
  h_p = h_p[:, :EMBED].reshape(B, L, EMBED)
  h_o = h_o[:, :EMBED].reshape(B, L, EMBED)
  return (h_p, h_o)

# --- scband reference (transcript-rebuilt; emitter-appended) ---
"""Pipeline reference for scband-embedder-78597901517003 (READ-ONLY COPY).

The authoritative reference and input builder live on the scoring server;
editing this copy changes nothing except your own understanding.
"""

import jax, jax.numpy as jnp
import numpy as np

NUM_OBJECT_CLASSES = 100000
NUM_PREDICATE_CLASSES = 1000000
EMBEDDING_DIM = 32
B, L = 16384, 200

def setup_inputs(seed: int = 0) -> dict:
    key = jax.random.key(seed)
    k1, k2, k3, k4, k5 = jax.random.split(key, 5)
    var_val = jax.random.randint(k1, (B, L), 0, 1000, dtype=jnp.int64 if jax.config.jax_enable_x64 else jnp.int32).astype(jnp.int32)
    var_type = jax.random.randint(k2, (B, L), 0, 1000, dtype=jnp.int32)
    object_class = jax.random.randint(k3, (B, L), 0, NUM_OBJECT_CLASSES, dtype=jnp.int32)
    W_pred = jax.random.normal(k4, (NUM_PREDICATE_CLASSES, EMBEDDING_DIM), dtype=jnp.float32) * 0.02
    W_obj = jax.random.normal(k5, (NUM_OBJECT_CLASSES, EMBEDDING_DIM), dtype=jnp.float32) * 0.02
    return {"var_val": var_val, "var_type": var_type, "object_class": object_class, "W_pred": W_pred, "W_obj": W_obj}

def reference(var_val, var_type, object_class, W_pred, W_obj):
    # indices = (var_val * var_type).int()
    indices = (var_val * var_type).astype(jnp.int32)
    # predicate embedding lookup + activation (EmbeddingLayer = Embedding -> activation)
    h_p = jax.nn.relu(jnp.take(W_pred, indices, axis=0))
    # object embedding lookup + activation
    h_o = jax.nn.relu(jnp.take(W_obj, object_class, axis=0))
    return (h_p, h_o)

if __name__ == "__main__":
    import jax
    _d = setup_inputs()
    print(jax.jit(kernel)(*tuple(_d.values())))

</pallas_src>

<mosaic_0001>
#map = affine_map<(d0, d1) -> (0)>
#map1 = affine_map<(d0, d1) -> (0, 0)>
module attributes {stable_mosaic.version = 14 : i64} {
  func.func @_pred_body(%arg0: i32, %arg1: i32, %arg2: memref<3276800xi32, #tpu.memory_space<hbm>>, %arg3: memref<3276800xi32, #tpu.memory_space<hbm>>, %arg4: memref<1000000x32xf32, #tpu.memory_space<hbm>>, %arg5: memref<3276800x128xf32, #tpu.memory_space<hbm>>, %arg6: memref<2x1280xi32, #tpu.memory_space<vmem>>, %arg7: memref<1280xi32, #tpu.memory_space<vmem>>, %arg8: memref<1280xi32, #tpu.memory_space<vmem>>, %arg9: memref<2x1280x32xf32, #tpu.memory_space<vmem>>, %arg10: memref<!tpu.dma_semaphore, #tpu.memory_space<semaphore_mem>>, %arg11: memref<!tpu.dma_semaphore, #tpu.memory_space<semaphore_mem>>, %arg12: memref<!tpu.dma_semaphore, #tpu.memory_space<semaphore_mem>>, %arg13: memref<!tpu.dma_semaphore, #tpu.memory_space<semaphore_mem>>) attributes {dimension_semantics = [#tpu.dimension_semantics<core_parallel>, #tpu.dimension_semantics<subcore_parallel>], iteration_bounds = array<i64: 2, 16>, scalar_prefetch = 0 : i64, scratch_operands = 8 : i64, tpu.core_type = #tpu.core_type<sc_vector_subcore>, window_params = [{transform_indices = #map}, {transform_indices = #map}, {transform_indices = #map1}, {transform_indices = #map1}]} {
    %mul3A = arith.constant 2 : i32
    %mul3A_0 = arith.muli %arg1, %mul3A : i32
    %add3A = arith.addi %mul3A_0, %arg0 : i32
    %mul3A_1 = arith.constant 102400 : i32
    %mul3A_2 = arith.muli %add3A, %mul3A_1 : i32
    %add3A_3 = arith.constant 0 : i32
    %add3A_4 = arith.addi %mul3A_2, %add3A_3 : i32
    "tpu.region"() ({
      %run_scoped3A = tpu.sem_alloc : memref<!tpu.dma_semaphore, #tpu.memory_space<semaphore_mem>>
      %dma_start3A_48 = tpu.memref_slice %arg2[%add3A_4] : memref<3276800xi32, #tpu.memory_space<hbm>> -> memref<1280xi32, #tpu.memory_space<hbm>>
      %dma_start3A_49 = tpu.memref_slice %arg2[%add3A_4] : memref<3276800xi32, #tpu.memory_space<hbm>> -> memref<1280xi32, #tpu.memory_space<hbm>>
      tpu.enqueue_dma source(%dma_start3A_49 : memref<1280xi32, #tpu.memory_space<hbm>>) target(%arg7 : memref<1280xi32, #tpu.memory_space<vmem>>) target_semaphore(%run_scoped3A : memref<!tpu.dma_semaphore, #tpu.memory_space<semaphore_mem>>)
      %dma_wait3A_50 = tpu.memref_slice %arg2[%add3A_4] : memref<3276800xi32, #tpu.memory_space<hbm>> -> memref<1280xi32, #tpu.memory_space<hbm>>
      %dma_wait3A_51 = tpu.memref_slice %arg2[%add3A_4] : memref<3276800xi32, #tpu.memory_space<hbm>> -> memref<1280xi32, #tpu.memory_space<hbm>>
      tpu.wait_dma2 semaphore(%run_scoped3A : memref<!tpu.dma_semaphore, #tpu.memory_space<semaphore_mem>>) src(%dma_wait3A_51 : memref<1280xi32, #tpu.memory_space<hbm>>) dst(%arg7 : memref<1280xi32, #tpu.memory_space<vmem>>)
      tpu.yield
    }) : () -> ()
    "tpu.region"() ({
      %run_scoped3A = tpu.sem_alloc : memref<!tpu.dma_semaphore, #tpu.memory_space<semaphore_mem>>
      %dma_start3A_48 = tpu.memref_slice %arg3[%add3A_4] : memref<3276800xi32, #tpu.memory_space<hbm>> -> memref<1280xi32, #tpu.memory_space<hbm>>
      %dma_start3A_49 = tpu.memref_slice %arg3[%add3A_4] : memref<3276800xi32, #tpu.memory_space<hbm>> -> memref<1280xi32, #tpu.memory_space<hbm>>
      tpu.enqueue_dma source(%dma_start3A_49 : memref<1280xi32, #tpu.memory_space<hbm>>) target(%arg8 : memref<1280xi32, #tpu.memory_space<vmem>>) target_semaphore(%run_scoped3A : memref<!tpu.dma_semaphore, #tpu.memory_space<semaphore_mem>>)
      %dma_wait3A_50 = tpu.memref_slice %arg3[%add3A_4] : memref<3276800xi32, #tpu.memory_space<hbm>> -> memref<1280xi32, #tpu.memory_space<hbm>>
      %dma_wait3A_51 = tpu.memref_slice %arg3[%add3A_4] : memref<3276800xi32, #tpu.memory_space<hbm>> -> memref<1280xi32, #tpu.memory_space<hbm>>
      tpu.wait_dma2 semaphore(%run_scoped3A : memref<!tpu.dma_semaphore, #tpu.memory_space<semaphore_mem>>) src(%dma_wait3A_51 : memref<1280xi32, #tpu.memory_space<hbm>>) dst(%arg8 : memref<1280xi32, #tpu.memory_space<vmem>>)
      tpu.yield
    }) : () -> ()
    %parallel_loop3A = arith.constant 0 : i32
    %parallel_loop3A_5 = arith.constant 80 : i32
    %parallel_loop3A_6 = arith.constant 1 : i32
    scf.for %parallel_loop3A_48 = %parallel_loop3A to %parallel_loop3A_5 step %parallel_loop3A_6  : i32 {
      %parallel_loop3A_49 = arith.constant 16 : i32
      %parallel_loop3A_50 = arith.muli %parallel_loop3A_48, %parallel_loop3A_49 : i32
      %parallel_loop3A_51 = arith.index_cast %parallel_loop3A_50 : i32 to index
      %parallel_loop3A_52 = tpu.vector_load %arg7[%parallel_loop3A_51] {strides = array<i32>} : memref<1280xi32, #tpu.memory_space<vmem>>, vector<16xi32>,
      %parallel_loop3A_53 = vector.shape_cast %parallel_loop3A_52 : vector<16xi32> to vector<16xi32>
      %parallel_loop3A_54 = arith.index_cast %parallel_loop3A_50 : i32 to index
      %parallel_loop3A_55 = tpu.vector_load %arg8[%parallel_loop3A_54] {strides = array<i32>} : memref<1280xi32, #tpu.memory_space<vmem>>, vector<16xi32>,
      %parallel_loop3A_56 = vector.shape_cast %parallel_loop3A_55 : vector<16xi32> to vector<16xi32>
      %parallel_loop3A_57 = arith.muli %parallel_loop3A_53, %parallel_loop3A_56 : vector<16xi32>
      %parallel_loop3A_58 = arith.constant 0 : i32
      %parallel_loop3A_59 = arith.index_cast %parallel_loop3A_58 : i32 to index
      %parallel_loop3A_60 = arith.index_cast %parallel_loop3A_50 : i32 to index
      %parallel_loop3A_61 = tpu.vector_load %arg6[%parallel_loop3A_59, %parallel_loop3A_60] {strides = array<i32>} : memref<2x1280xi32, #tpu.memory_space<vmem>>, vector<1x16xi32>,
      %parallel_loop3A_62 = vector.shape_cast %parallel_loop3A_61 : vector<1x16xi32> to vector<16xi32>
      %parallel_loop3A_63 = vector.shape_cast %parallel_loop3A_57 : vector<16xi32> to vector<1x16xi32>
      tpu.vector_store %arg6[%parallel_loop3A_59, %parallel_loop3A_60], %parallel_loop3A_63 {strides = array<i32>} : memref<2x1280xi32, #tpu.memory_space<vmem>>, vector<1x16xi32>,
    } {sc.loop_unroll_factor = 8 : i64, sc.parallel_access}
    %dma_start3A = arith.constant 0 : i32
    %dma_start3A_7 = arith.constant 0 : i32
    %dma_start3A_8 = arith.constant 0 : i32
    %dma_start3A_9 = arith.constant 0 : i32
    %dma_start3A_10 = tpu.memref_slice %arg9[%dma_start3A_7, %dma_start3A_8, %dma_start3A_9] : memref<2x1280x32xf32, #tpu.memory_space<vmem>> -> memref<1x1280x32xf32, #tpu.memory_space<vmem>>
    %dma_start3A_11 = tpu.memref_squeeze %dma_start3A_10 : memref<1x1280x32xf32, #tpu.memory_space<vmem>> -> memref<1280x32xf32, #tpu.memory_space<vmem>>
    %dma_start3A_12 = arith.constant 0 : i32
    %dma_start3A_13 = tpu.memref_slice %arg6[%dma_start3A, %dma_start3A_12] : memref<2x1280xi32, #tpu.memory_space<vmem>> -> memref<1x1280xi32, #tpu.memory_space<vmem>>
    %dma_start3A_14 = tpu.memref_squeeze %dma_start3A_13 : memref<1x1280xi32, #tpu.memory_space<vmem>> -> memref<1280xi32, #tpu.memory_space<vmem>>
    %dma_start3A_15 = arith.constant 0 : i32
    %dma_start3A_16 = arith.constant 0 : i32
    %dma_start3A_17 = tpu.memref_slice %arg4[%dma_start3A_15, %dma_start3A_16] : memref<1000000x32xf32, #tpu.memory_space<hbm>> -> memref<1000000x32xf32, #tpu.memory_space<hbm>>
    tpu.enqueue_indirect_dma source(%dma_start3A_17 : memref<1000000x32xf32, #tpu.memory_space<hbm>>) target(%dma_start3A_11 : memref<1280x32xf32, #tpu.memory_space<vmem>>) offsets(%dma_start3A_14 : memref<1280xi32, #tpu.memory_space<vmem>>) semaphore(%arg10 : memref<!tpu.dma_semaphore, #tpu.memory_space<semaphore_mem>>)
    %scan3A = arith.constant 0 : i32
    %scan3A_18 = arith.constant 0 : i32
    %scan3A_19 = arith.constant 40 : i32
    %scan3A_20 = arith.addi %scan3A_18, %scan3A_19 : i32
    %scan3A_21 = arith.constant 1 : i32
    scf.for %scan3A_48 = %scan3A_18 to %scan3A_20 step %scan3A_21  : i32 {
      %mul3A_49 = arith.constant 2 : i32
      %mul3A_50 = arith.muli %scan3A_48, %mul3A_49 : i32
      %add3A_51 = arith.constant 0 : i32
      %add3A_52 = arith.addi %mul3A_50, %add3A_51 : i32
      %add3A_53 = arith.constant 1 : i32
      %add3A_54 = arith.addi %add3A_52, %add3A_53 : i32
      %lt3A = arith.constant 80 : i32
      %lt3A_55 = arith.cmpi slt, %add3A_54, %lt3A : i32
      %convert_element_type3A = arith.extui %lt3A_55 : i1 to i32
      %cond3A = arith.constant 0 : i32
      %cond3A_56 = arith.cmpi ne, %convert_element_type3A, %cond3A : i32
      scf.if %cond3A_56 {
        %ge3A = arith.constant 2 : i32
        %ge3A_130 = arith.cmpi sge, %add3A_54, %ge3A : i32
        %convert_element_type3A_131 = arith.extui %ge3A_130 : i1 to i32
        %cond3A_132 = arith.constant 0 : i32
        %cond3A_133 = arith.cmpi ne, %convert_element_type3A_131, %cond3A_132 : i32
        scf.if %cond3A_133 {
          %dma_wait3A_152 = arith.constant 1 : i32
          %dma_wait3A_153 = arith.constant 0 : i32
          %dma_wait3A_154 = arith.constant 0 : i32
          %dma_wait3A_155 = tpu.memref_slice %arg9[%dma_wait3A_152, %dma_wait3A_153, %dma_wait3A_154] : memref<2x1280x32xf32, #tpu.memory_space<vmem>> -> memref<1x1280x32xf32, #tpu.memory_space<vmem>>
          %dma_wait3A_156 = tpu.memref_squeeze %dma_wait3A_155 : memref<1x1280x32xf32, #tpu.memory_space<vmem>> -> memref<1280x32xf32, #tpu.memory_space<vmem>>
          %dma_wait3A_157 = arith.constant 0 : i32
          %dma_wait3A_158 = tpu.memref_slice %arg5[%mul3A_2, %dma_wait3A_157] : memref<3276800x128xf32, #tpu.memory_space<hbm>> -> memref<1280x32xf32, #tpu.memory_space<hbm>>
          %dma_wait3A_159 = arith.constant 0 : i32
          %dma_wait3A_160 = tpu.memref_slice %arg5[%mul3A_2, %dma_wait3A_159] : memref<3276800x128xf32, #tpu.memory_space<hbm>> -> memref<1280x32xf32, #tpu.memory_space<hbm>>
          %dma_wait3A_161 = arith.constant 0 : i32
          %dma_wait3A_162 = arith.constant 0 : i32
          %dma_wait3A_163 = tpu.memref_slice %arg9[%dma_wait3A_152, %dma_wait3A_161, %dma_wait3A_162] : memref<2x1280x32xf32, #tpu.memory_space<vmem>> -> memref<1x1280x32xf32, #tpu.memory_space<vmem>>
          %dma_wait3A_164 = tpu.memref_squeeze %dma_wait3A_163 : memref<1x1280x32xf32, #tpu.memory_space<vmem>> -> memref<1280x32xf32, #tpu.memory_space<vmem>>
          tpu.wait_dma2 semaphore(%arg13 : memref<!tpu.dma_semaphore, #tpu.memory_space<semaphore_mem>>) src(%dma_wait3A_164 : memref<1280x32xf32, #tpu.memory_space<vmem>>) dst(%dma_wait3A_160 : memref<1280x32xf32, #tpu.memory_space<hbm>>)
        } else {
        }
        %mul3A_134 = arith.constant 1280 : i32
        %mul3A_135 = arith.muli %add3A_54, %mul3A_134 : i32
        %add3A_136 = arith.addi %mul3A_2, %mul3A_135 : i32
        "tpu.region"() ({
          %run_scoped3A = tpu.sem_alloc : memref<!tpu.dma_semaphore, #tpu.memory_space<semaphore_mem>>
          %dma_start3A_152 = tpu.memref_slice %arg2[%add3A_136] : memref<3276800xi32, #tpu.memory_space<hbm>> -> memref<1280xi32, #tpu.memory_space<hbm>>
          %dma_start3A_153 = tpu.memref_slice %arg2[%add3A_136] : memref<3276800xi32, #tpu.memory_space<hbm>> -> memref<1280xi32, #tpu.memory_space<hbm>>
          tpu.enqueue_dma source(%dma_start3A_153 : memref<1280xi32, #tpu.memory_space<hbm>>) target(%arg7 : memref<1280xi32, #tpu.memory_space<vmem>>) target_semaphore(%run_scoped3A : memref<!tpu.dma_semaphore, #tpu.memory_space<semaphore_mem>>)
          %dma_wait3A_154 = tpu.memref_slice %arg2[%add3A_136] : memref<3276800xi32, #tpu.memory_space<hbm>> -> memref<1280xi32, #tpu.memory_space<hbm>>
          %dma_wait3A_155 = tpu.memref_slice %arg2[%add3A_136] : memref<3276800xi32, #tpu.memory_space<hbm>> -> memref<1280xi32, #tpu.memory_space<hbm>>
          tpu.wait_dma2 semaphore(%run_scoped3A : memref<!tpu.dma_semaphore, #tpu.memory_space<semaphore_mem>>) src(%dma_wait3A_155 : memref<1280xi32, #tpu.memory_space<hbm>>) dst(%arg7 : memref<1280xi32, #tpu.memory_space<vmem>>)
          tpu.yield
        }) : () -> ()
        "tpu.region"() ({
          %run_scoped3A = tpu.sem_alloc : memref<!tpu.dma_semaphore, #tpu.memory_space<semaphore_mem>>
          %dma_start3A_152 = tpu.memref_slice %arg3[%add3A_136] : memref<3276800xi32, #tpu.memory_space<hbm>> -> memref<1280xi32, #tpu.memory_space<hbm>>
          %dma_start3A_153 = tpu.memref_slice %arg3[%add3A_136] : memref<3276800xi32, #tpu.memory_space<hbm>> -> memref<1280xi32, #tpu.memory_space<hbm>>
          tpu.enqueue_dma source(%dma_start3A_153 : memref<1280xi32, #tpu.memory_space<hbm>>) target(%arg8 : memref<1280xi32, #tpu.memory_space<vmem>>) target_semaphore(%run_scoped3A : memref<!tpu.dma_semaphore, #tpu.memory_space<semaphore_mem>>)
          %dma_wait3A_154 = tpu.memref_slice %arg3[%add3A_136] : memref<3276800xi32, #tpu.memory_space<hbm>> -> memref<1280xi32, #tpu.memory_space<hbm>>
          %dma_wait3A_155 = tpu.memref_slice %arg3[%add3A_136] : memref<3276800xi32, #tpu.memory_space<hbm>> -> memref<1280xi32, #tpu.memory_space<hbm>>
          tpu.wait_dma2 semaphore(%run_scoped3A : memref<!tpu.dma_semaphore, #tpu.memory_space<semaphore_mem>>) src(%dma_wait3A_155 : memref<1280xi32, #tpu.memory_space<hbm>>) dst(%arg8 : memref<1280xi32, #tpu.memory_space<vmem>>)
          tpu.yield
        }) : () -> ()
        %parallel_loop3A_137 = arith.constant 0 : i32
        %parallel_loop3A_138 = arith.constant 80 : i32
        %parallel_loop3A_139 = arith.constant 1 : i32
        scf.for %parallel_loop3A_152 = %parallel_loop3A_137 to %parallel_loop3A_138 step %parallel_loop3A_139  : i32 {
          %parallel_loop3A_153 = arith.constant 16 : i32
          %parallel_loop3A_154 = arith.muli %parallel_loop3A_152, %parallel_loop3A_153 : i32
          %parallel_loop3A_155 = arith.index_cast %parallel_loop3A_154 : i32 to index
          %parallel_loop3A_156 = tpu.vector_load %arg7[%parallel_loop3A_155] {strides = array<i32>} : memref<1280xi32, #tpu.memory_space<vmem>>, vector<16xi32>,
          %parallel_loop3A_157 = vector.shape_cast %parallel_loop3A_156 : vector<16xi32> to vector<16xi32>
          %parallel_loop3A_158 = arith.index_cast %parallel_loop3A_154 : i32 to index
          %parallel_loop3A_159 = tpu.vector_load %arg8[%parallel_loop3A_158] {strides = array<i32>} : memref<1280xi32, #tpu.memory_space<vmem>>, vector<16xi32>,
          %parallel_loop3A_160 = vector.shape_cast %parallel_loop3A_159 : vector<16xi32> to vector<16xi32>
          %parallel_loop3A_161 = arith.muli %parallel_loop3A_157, %parallel_loop3A_160 : vector<16xi32>
          %parallel_loop3A_162 = arith.constant 1 : i32
          %parallel_loop3A_163 = arith.index_cast %parallel_loop3A_162 : i32 to index
          %parallel_loop3A_164 = arith.index_cast %parallel_loop3A_154 : i32 to index
          %parallel_loop3A_165 = tpu.vector_load %arg6[%parallel_loop3A_163, %parallel_loop3A_164] {strides = array<i32>} : memref<2x1280xi32, #tpu.memory_space<vmem>>, vector<1x16xi32>,
          %parallel_loop3A_166 = vector.shape_cast %parallel_loop3A_165 : vector<1x16xi32> to vector<16xi32>
          %parallel_loop3A_167 = vector.shape_cast %parallel_loop3A_161 : vector<16xi32> to vector<1x16xi32>
          tpu.vector_store %arg6[%parallel_loop3A_163, %parallel_loop3A_164], %parallel_loop3A_167 {strides = array<i32>} : memref<2x1280xi32, #tpu.memory_space<vmem>>, vector<1x16xi32>,
        } {sc.loop_unroll_factor = 8 : i64, sc.parallel_access}
        %dma_start3A_140 = arith.constant 1 : i32
        %dma_start3A_141 = arith.constant 1 : i32
        %dma_start3A_142 = arith.constant 0 : i32
        %dma_start3A_143 = arith.constant 0 : i32
        %dma_start3A_144 = tpu.memref_slice %arg9[%dma_start3A_141, %dma_start3A_142, %dma_start3A_143] : memref<2x1280x32xf32, #tpu.memory_space<vmem>> -> memref<1x1280x32xf32, #tpu.memory_space<vmem>>
        %dma_start3A_145 = tpu.memref_squeeze %dma_start3A_144 : memref<1x1280x32xf32, #tpu.memory_space<vmem>> -> memref<1280x32xf32, #tpu.memory_space<vmem>>
        %dma_start3A_146 = arith.constant 0 : i32
        %dma_start3A_147 = tpu.memref_slice %arg6[%dma_start3A_140, %dma_start3A_146] : memref<2x1280xi32, #tpu.memory_space<vmem>> -> memref<1x1280xi32, #tpu.memory_space<vmem>>
        %dma_start3A_148 = tpu.memref_squeeze %dma_start3A_147 : memref<1x1280xi32, #tpu.memory_space<vmem>> -> memref<1280xi32, #tpu.memory_space<vmem>>
        %dma_start3A_149 = arith.constant 0 : i32
        %dma_start3A_150 = arith.constant 0 : i32
        %dma_start3A_151 = tpu.memref_slice %arg4[%dma_start3A_149, %dma_start3A_150] : memref<1000000x32xf32, #tpu.memory_space<hbm>> -> memref<1000000x32xf32, #tpu.memory_space<hbm>>
        tpu.enqueue_indirect_dma source(%dma_start3A_151 : memref<1000000x32xf32, #tpu.memory_space<hbm>>) target(%dma_start3A_145 : memref<1280x32xf32, #tpu.memory_space<vmem>>) offsets(%dma_start3A_148 : memref<1280xi32, #tpu.memory_space<vmem>>) semaphore(%arg11 : memref<!tpu.dma_semaphore, #tpu.memory_space<semaphore_mem>>)
      } else {
      }
      %dma_wait3A_57 = arith.constant 0 : i32
      %dma_wait3A_58 = arith.constant 0 : i32
      %dma_wait3A_59 = arith.constant 0 : i32
      %dma_wait3A_60 = arith.constant 0 : i32
      %dma_wait3A_61 = tpu.memref_slice %arg9[%dma_wait3A_58, %dma_wait3A_59, %dma_wait3A_60] : memref<2x1280x32xf32, #tpu.memory_space<vmem>> -> memref<1x1280x32xf32, #tpu.memory_space<vmem>>
      %dma_wait3A_62 = tpu.memref_squeeze %dma_wait3A_61 : memref<1x1280x32xf32, #tpu.memory_space<vmem>> -> memref<1280x32xf32, #tpu.memory_space<vmem>>
      %dma_wait3A_63 = arith.constant 0 : i32
      %dma_wait3A_64 = tpu.memref_slice %arg6[%dma_wait3A_57, %dma_wait3A_63] : memref<2x1280xi32, #tpu.memory_space<vmem>> -> memref<1x1280xi32, #tpu.memory_space<vmem>>
      %dma_wait3A_65 = tpu.memref_squeeze %dma_wait3A_64 : memref<1x1280xi32, #tpu.memory_space<vmem>> -> memref<1280xi32, #tpu.memory_space<vmem>>
      %dma_wait3A_66 = arith.constant 0 : i32
      %dma_wait3A_67 = arith.constant 0 : i32
      %dma_wait3A_68 = tpu.memref_slice %arg4[%dma_wait3A_66, %dma_wait3A_67] : memref<1000000x32xf32, #tpu.memory_space<hbm>> -> memref<1000000x32xf32, #tpu.memory_space<hbm>>
      tpu.wait_indirect_dma semaphore(%arg10 : memref<!tpu.dma_semaphore, #tpu.memory_space<semaphore_mem>>) src(%dma_wait3A_68 : memref<1000000x32xf32, #tpu.memory_space<hbm>>) dst(%dma_wait3A_62 : memref<1280x32xf32, #tpu.memory_space<vmem>>)
      %parallel_loop3A_69 = arith.constant 0 : i32
      %parallel_loop3A_70 = arith.constant 1280 : i32
      %parallel_loop3A_71 = arith.constant 1 : i32
      scf.for %parallel_loop3A_130 = %parallel_loop3A_69 to %parallel_loop3A_70 step %parallel_loop3A_71  : i32 {
        %parallel_loop3A_131 = arith.constant 0 : i32
        %parallel_loop3A_132 = arith.index_cast %parallel_loop3A_131 : i32 to index
        %parallel_loop3A_133 = arith.index_cast %parallel_loop3A_130 : i32 to index
        %parallel_loop3A_134 = arith.constant 0 : index
        %parallel_loop3A_135 = tpu.vector_load %arg9[%parallel_loop3A_132, %parallel_loop3A_133, %parallel_loop3A_134] {strides = array<i32>} : memref<2x1280x32xf32, #tpu.memory_space<vmem>>, vector<1x1x16xf32>,
        %parallel_loop3A_136 = vector.shape_cast %parallel_loop3A_135 : vector<1x1x16xf32> to vector<16xf32>
        %parallel_loop3A_137 = arith.constant 0.000000e+00 : f32
        %parallel_loop3A_138 = vector.broadcast %parallel_loop3A_137 : f32 to vector<16xf32>
        %parallel_loop3A_139 = arith.maximumf %parallel_loop3A_136, %parallel_loop3A_138 : vector<16xf32>
        %parallel_loop3A_140 = arith.constant 0 : i32
        %parallel_loop3A_141 = arith.index_cast %parallel_loop3A_140 : i32 to index
        %parallel_loop3A_142 = arith.index_cast %parallel_loop3A_130 : i32 to index
        %parallel_loop3A_143 = arith.constant 0 : index
        %parallel_loop3A_144 = tpu.vector_load %arg9[%parallel_loop3A_141, %parallel_loop3A_142, %parallel_loop3A_143] {strides = array<i32>} : memref<2x1280x32xf32, #tpu.memory_space<vmem>>, vector<1x1x16xf32>,
        %parallel_loop3A_145 = vector.shape_cast %parallel_loop3A_144 : vector<1x1x16xf32> to vector<16xf32>
        %parallel_loop3A_146 = vector.shape_cast %parallel_loop3A_139 : vector<16xf32> to vector<1x1x16xf32>
        tpu.vector_store %arg9[%parallel_loop3A_141, %parallel_loop3A_142, %parallel_loop3A_143], %parallel_loop3A_146 {strides = array<i32>} : memref<2x1280x32xf32, #tpu.memory_space<vmem>>, vector<1x1x16xf32>,
        %parallel_loop3A_147 = arith.constant 0 : i32
        %parallel_loop3A_148 = arith.index_cast %parallel_loop3A_147 : i32 to index
        %parallel_loop3A_149 = arith.index_cast %parallel_loop3A_130 : i32 to index
        %parallel_loop3A_150 = arith.constant 16 : index
        %parallel_loop3A_151 = tpu.vector_load %arg9[%parallel_loop3A_148, %parallel_loop3A_149, %parallel_loop3A_150] {strides = array<i32>} : memref<2x1280x32xf32, #tpu.memory_space<vmem>>, vector<1x1x16xf32>,
        %parallel_loop3A_152 = vector.shape_cast %parallel_loop3A_151 : vector<1x1x16xf32> to vector<16xf32>
        %parallel_loop3A_153 = arith.constant 0.000000e+00 : f32
        %parallel_loop3A_154 = vector.broadcast %parallel_loop3A_153 : f32 to vector<16xf32>
        %parallel_loop3A_155 = arith.maximumf %parallel_loop3A_152, %parallel_loop3A_154 : vector<16xf32>
        %parallel_loop3A_156 = arith.constant 0 : i32
        %parallel_loop3A_157 = arith.index_cast %parallel_loop3A_156 : i32 to index
        %parallel_loop3A_158 = arith.index_cast %parallel_loop3A_130 : i32 to index
        %parallel_loop3A_159 = arith.constant 16 : index
        %parallel_loop3A_160 = tpu.vector_load %arg9[%parallel_loop3A_157, %parallel_loop3A_158, %parallel_loop3A_159] {strides = array<i32>} : memref<2x1280x32xf32, #tpu.memory_space<vmem>>, vector<1x1x16xf32>,
        %parallel_loop3A_161 = vector.shape_cast %parallel_loop3A_160 : vector<1x1x16xf32> to vector<16xf32>
        %parallel_loop3A_162 = vector.shape_cast %parallel_loop3A_155 : vector<16xf32> to vector<1x1x16xf32>
        tpu.vector_store %arg9[%parallel_loop3A_157, %parallel_loop3A_158, %parallel_loop3A_159], %parallel_loop3A_162 {strides = array<i32>} : memref<2x1280x32xf32, #tpu.memory_space<vmem>>, vector<1x1x16xf32>,
      } {sc.loop_unroll_factor = 8 : i64, sc.parallel_access}
      %mul3A_72 = arith.constant 1280 : i32
      %mul3A_73 = arith.muli %add3A_52, %mul3A_72 : i32
      %add3A_74 = arith.addi %mul3A_2, %mul3A_73 : i32
      %dma_start3A_75 = arith.constant 0 : i32
      %dma_start3A_76 = arith.constant 0 : i32
      %dma_start3A_77 = arith.constant 0 : i32
      %dma_start3A_78 = tpu.memref_slice %arg9[%dma_start3A_75, %dma_start3A_76, %dma_start3A_77] : memref<2x1280x32xf32, #tpu.memory_space<vmem>> -> memref<1x1280x32xf32, #tpu.memory_space<vmem>>
      %dma_start3A_79 = tpu.memref_squeeze %dma_start3A_78 : memref<1x1280x32xf32, #tpu.memory_space<vmem>> -> memref<1280x32xf32, #tpu.memory_space<vmem>>
      %dma_start3A_80 = arith.constant 0 : i32
      %dma_start3A_81 = tpu.memref_slice %arg5[%add3A_74, %dma_start3A_80] : memref<3276800x128xf32, #tpu.memory_space<hbm>> -> memref<1280x32xf32, #tpu.memory_space<hbm>>
      %dma_start3A_82 = arith.constant 0 : i32
      %dma_start3A_83 = tpu.memref_slice %arg5[%add3A_74, %dma_start3A_82] : memref<3276800x128xf32, #tpu.memory_space<hbm>> -> memref<1280x32xf32, #tpu.memory_space<hbm>>
      %dma_start3A_84 = arith.constant 0 : i32
      %dma_start3A_85 = arith.constant 0 : i32
      %dma_start3A_86 = tpu.memref_slice %arg9[%dma_start3A_75, %dma_start3A_84, %dma_start3A_85] : memref<2x1280x32xf32, #tpu.memory_space<vmem>> -> memref<1x1280x32xf32, #tpu.memory_space<vmem>>
      %dma_start3A_87 = tpu.memref_squeeze %dma_start3A_86 : memref<1x1280x32xf32, #tpu.memory_space<vmem>> -> memref<1280x32xf32, #tpu.memory_space<vmem>>
      tpu.enqueue_dma source(%dma_start3A_87 : memref<1280x32xf32, #tpu.memory_space<vmem>>) target(%dma_start3A_83 : memref<1280x32xf32, #tpu.memory_space<hbm>>) target_semaphore(%arg12 : memref<!tpu.dma_semaphore, #tpu.memory_space<semaphore_mem>>)
      %mul3A_88 = arith.constant 2 : i32
      %mul3A_89 = arith.muli %scan3A_48, %mul3A_88 : i32
      %add3A_90 = arith.constant 1 : i32
      %add3A_91 = arith.addi %mul3A_89, %add3A_90 : i32
      %add3A_92 = arith.constant 1 : i32
      %add3A_93 = arith.addi %add3A_91, %add3A_92 : i32
      %lt3A_94 = arith.constant 80 : i32
      %lt3A_95 = arith.cmpi slt, %add3A_93, %lt3A_94 : i32
      %convert_element_type3A_96 = arith.extui %lt3A_95 : i1 to i32
      %cond3A_97 = arith.constant 0 : i32
      %cond3A_98 = arith.cmpi ne, %convert_element_type3A_96, %cond3A_97 : i32
      scf.if %cond3A_98 {
        %ge3A = arith.constant 2 : i32
        %ge3A_130 = arith.cmpi sge, %add3A_93, %ge3A : i32
        %convert_element_type3A_131 = arith.extui %ge3A_130 : i1 to i32
        %cond3A_132 = arith.constant 0 : i32
        %cond3A_133 = arith.cmpi ne, %convert_element_type3A_131, %cond3A_132 : i32
        scf.if %cond3A_133 {
          %dma_wait3A_152 = arith.constant 0 : i32
          %dma_wait3A_153 = arith.constant 0 : i32
          %dma_wait3A_154 = arith.constant 0 : i32
          %dma_wait3A_155 = tpu.memref_slice %arg9[%dma_wait3A_152, %dma_wait3A_153, %dma_wait3A_154] : memref<2x1280x32xf32, #tpu.memory_space<vmem>> -> memref<1x1280x32xf32, #tpu.memory_space<vmem>>
          %dma_wait3A_156 = tpu.memref_squeeze %dma_wait3A_155 : memref<1x1280x32xf32, #tpu.memory_space<vmem>> -> memref<1280x32xf32, #tpu.memory_space<vmem>>
          %dma_wait3A_157 = arith.constant 0 : i32
          %dma_wait3A_158 = tpu.memref_slice %arg5[%mul3A_2, %dma_wait3A_157] : memref<3276800x128xf32, #tpu.memory_space<hbm>> -> memref<1280x32xf32, #tpu.memory_space<hbm>>
          %dma_wait3A_159 = arith.constant 0 : i32
          %dma_wait3A_160 = tpu.memref_slice %arg5[%mul3A_2, %dma_wait3A_159] : memref<3276800x128xf32, #tpu.memory_space<hbm>> -> memref<1280x32xf32, #tpu.memory_space<hbm>>
          %dma_wait3A_161 = arith.constant 0 : i32
          %dma_wait3A_162 = arith.constant 0 : i32
          %dma_wait3A_163 = tpu.memref_slice %arg9[%dma_wait3A_152, %dma_wait3A_161, %dma_wait3A_162] : memref<2x1280x32xf32, #tpu.memory_space<vmem>> -> memref<1x1280x32xf32, #tpu.memory_space<vmem>>
          %dma_wait3A_164 = tpu.memref_squeeze %dma_wait3A_163 : memref<1x1280x32xf32, #tpu.memory_space<vmem>> -> memref<1280x32xf32, #tpu.memory_space<vmem>>
          tpu.wait_dma2 semaphore(%arg12 : memref<!tpu.dma_semaphore, #tpu.memory_space<semaphore_mem>>) src(%dma_wait3A_164 : memref<1280x32xf32, #tpu.memory_space<vmem>>) dst(%dma_wait3A_160 : memref<1280x32xf32, #tpu.memory_space<hbm>>)
        } else {
        }
        %mul3A_134 = arith.constant 1280 : i32
        %mul3A_135 = arith.muli %add3A_93, %mul3A_134 : i32
        %add3A_136 = arith.addi %mul3A_2, %mul3A_135 : i32
        "tpu.region"() ({
          %run_scoped3A = tpu.sem_alloc : memref<!tpu.dma_semaphore, #tpu.memory_space<semaphore_mem>>
          %dma_start3A_152 = tpu.memref_slice %arg2[%add3A_136] : memref<3276800xi32, #tpu.memory_space<hbm>> -> memref<1280xi32, #tpu.memory_space<hbm>>
          %dma_start3A_153 = tpu.memref_slice %arg2[%add3A_136] : memref<3276800xi32, #tpu.memory_space<hbm>> -> memref<1280xi32, #tpu.memory_space<hbm>>
          tpu.enqueue_dma source(%dma_start3A_153 : memref<1280xi32, #tpu.memory_space<hbm>>) target(%arg7 : memref<1280xi32, #tpu.memory_space<vmem>>) target_semaphore(%run_scoped3A : memref<!tpu.dma_semaphore, #tpu.memory_space<semaphore_mem>>)
          %dma_wait3A_154 = tpu.memref_slice %arg2[%add3A_136] : memref<3276800xi32, #tpu.memory_space<hbm>> -> memref<1280xi32, #tpu.memory_space<hbm>>
          %dma_wait3A_155 = tpu.memref_slice %arg2[%add3A_136] : memref<3276800xi32, #tpu.memory_space<hbm>> -> memref<1280xi32, #tpu.memory_space<hbm>>
          tpu.wait_dma2 semaphore(%run_scoped3A : memref<!tpu.dma_semaphore, #tpu.memory_space<semaphore_mem>>) src(%dma_wait3A_155 : memref<1280xi32, #tpu.memory_space<hbm>>) dst(%arg7 : memref<1280xi32, #tpu.memory_space<vmem>>)
          tpu.yield
        }) : () -> ()
        "tpu.region"() ({
          %run_scoped3A = tpu.sem_alloc : memref<!tpu.dma_semaphore, #tpu.memory_space<semaphore_mem>>
          %dma_start3A_152 = tpu.memref_slice %arg3[%add3A_136] : memref<3276800xi32, #tpu.memory_space<hbm>> -> memref<1280xi32, #tpu.memory_space<hbm>>
          %dma_start3A_153 = tpu.memref_slice %arg3[%add3A_136] : memref<3276800xi32, #tpu.memory_space<hbm>> -> memref<1280xi32, #tpu.memory_space<hbm>>
          tpu.enqueue_dma source(%dma_start3A_153 : memref<1280xi32, #tpu.memory_space<hbm>>) target(%arg8 : memref<1280xi32, #tpu.memory_space<vmem>>) target_semaphore(%run_scoped3A : memref<!tpu.dma_semaphore, #tpu.memory_space<semaphore_mem>>)
          %dma_wait3A_154 = tpu.memref_slice %arg3[%add3A_136] : memref<3276800xi32, #tpu.memory_space<hbm>> -> memref<1280xi32, #tpu.memory_space<hbm>>
          %dma_wait3A_155 = tpu.memref_slice %arg3[%add3A_136] : memref<3276800xi32, #tpu.memory_space<hbm>> -> memref<1280xi32, #tpu.memory_space<hbm>>
          tpu.wait_dma2 semaphore(%run_scoped3A : memref<!tpu.dma_semaphore, #tpu.memory_space<semaphore_mem>>) src(%dma_wait3A_155 : memref<1280xi32, #tpu.memory_space<hbm>>) dst(%arg8 : memref<1280xi32, #tpu.memory_space<vmem>>)
          tpu.yield
        }) : () -> ()
        %parallel_loop3A_137 = arith.constant 0 : i32
        %parallel_loop3A_138 = arith.constant 80 : i32
        %parallel_loop3A_139 = arith.constant 1 : i32
        scf.for %parallel_loop3A_152 = %parallel_loop3A_137 to %parallel_loop3A_138 step %parallel_loop3A_139  : i32 {
          %parallel_loop3A_153 = arith.constant 16 : i32
          %parallel_loop3A_154 = arith.muli %parallel_loop3A_152, %parallel_loop3A_153 : i32
          %parallel_loop3A_155 = arith.index_cast %parallel_loop3A_154 : i32 to index
          %parallel_loop3A_156 = tpu.vector_load %arg7[%parallel_loop3A_155] {strides = array<i32>} : memref<1280xi32, #tpu.memory_space<vmem>>, vector<16xi32>,
          %parallel_loop3A_157 = vector.shape_cast %parallel_loop3A_156 : vector<16xi32> to vector<16xi32>
          %parallel_loop3A_158 = arith.index_cast %parallel_loop3A_154 : i32 to index
          %parallel_loop3A_159 = tpu.vector_load %arg8[%parallel_loop3A_158] {strides = array<i32>} : memref<1280xi32, #tpu.memory_space<vmem>>, vector<16xi32>,
          %parallel_loop3A_160 = vector.shape_cast %parallel_loop3A_159 : vector<16xi32> to vector<16xi32>
          %parallel_loop3A_161 = arith.muli %parallel_loop3A_157, %parallel_loop3A_160 : vector<16xi32>
          %parallel_loop3A_162 = arith.constant 0 : i32
          %parallel_loop3A_163 = arith.index_cast %parallel_loop3A_162 : i32 to index
          %parallel_loop3A_164 = arith.index_cast %parallel_loop3A_154 : i32 to index
          %parallel_loop3A_165 = tpu.vector_load %arg6[%parallel_loop3A_163, %parallel_loop3A_164] {strides = array<i32>} : memref<2x1280xi32, #tpu.memory_space<vmem>>, vector<1x16xi32>,
          %parallel_loop3A_166 = vector.shape_cast %parallel_loop3A_165 : vector<1x16xi32> to vector<16xi32>
          %parallel_loop3A_167 = vector.shape_cast %parallel_loop3A_161 : vector<16xi32> to vector<1x16xi32>
          tpu.vector_store %arg6[%parallel_loop3A_163, %parallel_loop3A_164], %parallel_loop3A_167 {strides = array<i32>} : memref<2x1280xi32, #tpu.memory_space<vmem>>, vector<1x16xi32>,
        } {sc.loop_unroll_factor = 8 : i64, sc.parallel_access}
        %dma_start3A_140 = arith.constant 0 : i32
        %dma_start3A_141 = arith.constant 0 : i32
        %dma_start3A_142 = arith.constant 0 : i32
        %dma_start3A_143 = arith.constant 0 : i32
        %dma_start3A_144 = tpu.memref_slice %arg9[%dma_start3A_141, %dma_start3A_142, %dma_start3A_143] : memref<2x1280x32xf32, #tpu.memory_space<vmem>> -> memref<1x1280x32xf32, #tpu.memory_space<vmem>>
        %dma_start3A_145 = tpu.memref_squeeze %dma_start3A_144 : memref<1x1280x32xf32, #tpu.memory_space<vmem>> -> memref<1280x32xf32, #tpu.memory_space<vmem>>
        %dma_start3A_146 = arith.constant 0 : i32
        %dma_start3A_147 = tpu.memref_slice %arg6[%dma_start3A_140, %dma_start3A_146] : memref<2x1280xi32, #tpu.memory_space<vmem>> -> memref<1x1280xi32, #tpu.memory_space<vmem>>
        %dma_start3A_148 = tpu.memref_squeeze %dma_start3A_147 : memref<1x1280xi32, #tpu.memory_space<vmem>> -> memref<1280xi32, #tpu.memory_space<vmem>>
        %dma_start3A_149 = arith.constant 0 : i32
        %dma_start3A_150 = arith.constant 0 : i32
        %dma_start3A_151 = tpu.memref_slice %arg4[%dma_start3A_149, %dma_start3A_150] : memref<1000000x32xf32, #tpu.memory_space<hbm>> -> memref<1000000x32xf32, #tpu.memory_space<hbm>>
        tpu.enqueue_indirect_dma source(%dma_start3A_151 : memref<1000000x32xf32, #tpu.memory_space<hbm>>) target(%dma_start3A_145 : memref<1280x32xf32, #tpu.memory_space<vmem>>) offsets(%dma_start3A_148 : memref<1280xi32, #tpu.memory_space<vmem>>) semaphore(%arg10 : memref<!tpu.dma_semaphore, #tpu.memory_space<semaphore_mem>>)
      } else {
      }
      %dma_wait3A_99 = arith.constant 1 : i32
      %dma_wait3A_100 = arith.constant 1 : i32
      %dma_wait3A_101 = arith.constant 0 : i32
      %dma_wait3A_102 = arith.constant 0 : i32
      %dma_wait3A_103 = tpu.memref_slice %arg9[%dma_wait3A_100, %dma_wait3A_101, %dma_wait3A_102] : memref<2x1280x32xf32, #tpu.memory_space<vmem>> -> memref<1x1280x32xf32, #tpu.memory_space<vmem>>
      %dma_wait3A_104 = tpu.memref_squeeze %dma_wait3A_103 : memref<1x1280x32xf32, #tpu.memory_space<vmem>> -> memref<1280x32xf32, #tpu.memory_space<vmem>>
      %dma_wait3A_105 = arith.constant 0 : i32
      %dma_wait3A_106 = tpu.memref_slice %arg6[%dma_wait3A_99, %dma_wait3A_105] : memref<2x1280xi32, #tpu.memory_space<vmem>> -> memref<1x1280xi32, #tpu.memory_space<vmem>>
      %dma_wait3A_107 = tpu.memref_squeeze %dma_wait3A_106 : memref<1x1280xi32, #tpu.memory_space<vmem>> -> memref<1280xi32, #tpu.memory_space<vmem>>
      %dma_wait3A_108 = arith.constant 0 : i32
      %dma_wait3A_109 = arith.constant 0 : i32
      %dma_wait3A_110 = tpu.memref_slice %arg4[%dma_wait3A_108, %dma_wait3A_109] : memref<1000000x32xf32, #tpu.memory_space<hbm>> -> memref<1000000x32xf32, #tpu.memory_space<hbm>>
      tpu.wait_indirect_dma semaphore(%arg11 : memref<!tpu.dma_semaphore, #tpu.memory_space<semaphore_mem>>) src(%dma_wait3A_110 : memref<1000000x32xf32, #tpu.memory_space<hbm>>) dst(%dma_wait3A_104 : memref<1280x32xf32, #tpu.memory_space<vmem>>)
      %parallel_loop3A_111 = arith.constant 0 : i32
      %parallel_loop3A_112 = arith.constant 1280 : i32
      %parallel_loop3A_113 = arith.constant 1 : i32
      scf.for %parallel_loop3A_130 = %parallel_loop3A_111 to %parallel_loop3A_112 step %parallel_loop3A_113  : i32 {
        %parallel_loop3A_131 = arith.constant 1 : i32
        %parallel_loop3A_132 = arith.index_cast %parallel_loop3A_131 : i32 to index
        %parallel_loop3A_133 = arith.index_cast %parallel_loop3A_130 : i32 to index
        %parallel_loop3A_134 = arith.constant 0 : index
        %parallel_loop3A_135 = tpu.vector_load %arg9[%parallel_loop3A_132, %parallel_loop3A_133, %parallel_loop3A_134] {strides = array<i32>} : memref<2x1280x32xf32, #tpu.memory_space<vmem>>, vector<1x1x16xf32>,
        %parallel_loop3A_136 = vector.shape_cast %parallel_loop3A_135 : vector<1x1x16xf32> to vector<16xf32>
        %parallel_loop3A_137 = arith.constant 0.000000e+00 : f32
        %parallel_loop3A_138 = vector.broadcast %parallel_loop3A_137 : f32 to vector<16xf32>
        %parallel_loop3A_139 = arith.maximumf %parallel_loop3A_136, %parallel_loop3A_138 : vector<16xf32>
        %parallel_loop3A_140 = arith.constant 1 : i32
        %parallel_loop3A_141 = arith.index_cast %parallel_loop3A_140 : i32 to index
        %parallel_loop3A_142 = arith.index_cast %parallel_loop3A_130 : i32 to index
        %parallel_loop3A_143 = arith.constant 0 : index
        %parallel_loop3A_144 = tpu.vector_load %arg9[%parallel_loop3A_141, %parallel_loop3A_142, %parallel_loop3A_143] {strides = array<i32>} : memref<2x1280x32xf32, #tpu.memory_space<vmem>>, vector<1x1x16xf32>,
        %parallel_loop3A_145 = vector.shape_cast %parallel_loop3A_144 : vector<1x1x16xf32> to vector<16xf32>
        %parallel_loop3A_146 = vector.shape_cast %parallel_loop3A_139 : vector<16xf32> to vector<1x1x16xf32>
        tpu.vector_store %arg9[%parallel_loop3A_141, %parallel_loop3A_142, %parallel_loop3A_143], %parallel_loop3A_146 {strides = array<i32>} : memref<2x1280x32xf32, #tpu.memory_space<vmem>>, vector<1x1x16xf32>,
        %parallel_loop3A_147 = arith.constant 1 : i32
        %parallel_loop3A_148 = arith.index_cast %parallel_loop3A_147 : i32 to index
        %parallel_loop3A_149 = arith.index_cast %parallel_loop3A_130 : i32 to index
        %parallel_loop3A_150 = arith.constant 16 : index
        %parallel_loop3A_151 = tpu.vector_load %arg9[%parallel_loop3A_148, %parallel_loop3A_149, %parallel_loop3A_150] {strides = array<i32>} : memref<2x1280x32xf32, #tpu.memory_space<vmem>>, vector<1x1x16xf32>,
        %parallel_loop3A_152 = vector.shape_cast %parallel_loop3A_151 : vector<1x1x16xf32> to vector<16xf32>
        %parallel_loop3A_153 = arith.constant 0.000000e+00 : f32
        %parallel_loop3A_154 = vector.broadcast %parallel_loop3A_153 : f32 to vector<16xf32>
        %parallel_loop3A_155 = arith.maximumf %parallel_loop3A_152, %parallel_loop3A_154 : vector<16xf32>
        %parallel_loop3A_156 = arith.constant 1 : i32
        %parallel_loop3A_157 = arith.index_cast %parallel_loop3A_156 : i32 to index
        %parallel_loop3A_158 = arith.index_cast %parallel_loop3A_130 : i32 to index
        %parallel_loop3A_159 = arith.constant 16 : index
        %parallel_loop3A_160 = tpu.vector_load %arg9[%parallel_loop3A_157, %parallel_loop3A_158, %parallel_loop3A_159] {strides = array<i32>} : memref<2x1280x32xf32, #tpu.memory_space<vmem>>, vector<1x1x16xf32>,
        %parallel_loop3A_161 = vector.shape_cast %parallel_loop3A_160 : vector<1x1x16xf32> to vector<16xf32>
        %parallel_loop3A_162 = vector.shape_cast %parallel_loop3A_155 : vector<16xf32> to vector<1x1x16xf32>
        tpu.vector_store %arg9[%parallel_loop3A_157, %parallel_loop3A_158, %parallel_loop3A_159], %parallel_loop3A_162 {strides = array<i32>} : memref<2x1280x32xf32, #tpu.memory_space<vmem>>, vector<1x1x16xf32>,
      } {sc.loop_unroll_factor = 8 : i64, sc.parallel_access}
      %mul3A_114 = arith.constant 1280 : i32
      %mul3A_115 = arith.muli %add3A_91, %mul3A_114 : i32
      %add3A_116 = arith.addi %mul3A_2, %mul3A_115 : i32
      %dma_start3A_117 = arith.constant 1 : i32
      %dma_start3A_118 = arith.constant 0 : i32
      %dma_start3A_119 = arith.constant 0 : i32
      %dma_start3A_120 = tpu.memref_slice %arg9[%dma_start3A_117, %dma_start3A_118, %dma_start3A_119] : memref<2x1280x32xf32, #tpu.memory_space<vmem>> -> memref<1x1280x32xf32, #tpu.memory_space<vmem>>
      %dma_start3A_121 = tpu.memref_squeeze %dma_start3A_120 : memref<1x1280x32xf32, #tpu.memory_space<vmem>> -> memref<1280x32xf32, #tpu.memory_space<vmem>>
      %dma_start3A_122 = arith.constant 0 : i32
      %dma_start3A_123 = tpu.memref_slice %arg5[%add3A_116, %dma_start3A_122] : memref<3276800x128xf32, #tpu.memory_space<hbm>> -> memref<1280x32xf32, #tpu.memory_space<hbm>>
      %dma_start3A_124 = arith.constant 0 : i32
      %dma_start3A_125 = tpu.memref_slice %arg5[%add3A_116, %dma_start3A_124] : memref<3276800x128xf32, #tpu.memory_space<hbm>> -> memref<1280x32xf32, #tpu.memory_space<hbm>>
      %dma_start3A_126 = arith.constant 0 : i32
      %dma_start3A_127 = arith.constant 0 : i32
      %dma_start3A_128 = tpu.memref_slice %arg9[%dma_start3A_117, %dma_start3A_126, %dma_start3A_127] : memref<2x1280x32xf32, #tpu.memory_space<vmem>> -> memref<1x1280x32xf32, #tpu.memory_space<vmem>>
      %dma_start3A_129 = tpu.memref_squeeze %dma_start3A_128 : memref<1x1280x32xf32, #tpu.memory_space<vmem>> -> memref<1280x32xf32, #tpu.memory_space<vmem>>
      tpu.enqueue_dma source(%dma_start3A_129 : memref<1280x32xf32, #tpu.memory_space<vmem>>) target(%dma_start3A_125 : memref<1280x32xf32, #tpu.memory_space<hbm>>) target_semaphore(%arg13 : memref<!tpu.dma_semaphore, #tpu.memory_space<semaphore_mem>>)
    }
    %scan3A_22 = arith.constant 40 : i32
    %dma_wait3A = arith.constant 0 : i32
    %dma_wait3A_23 = arith.constant 0 : i32
    %dma_wait3A_24 = arith.constant 0 : i32
    %dma_wait3A_25 = tpu.memref_slice %arg9[%dma_wait3A, %dma_wait3A_23, %dma_wait3A_24] : memref<2x1280x32xf32, #tpu.memory_space<vmem>> -> memref<1x1280x32xf32, #tpu.memory_space<vmem>>
    %dma_wait3A_26 = tpu.memref_squeeze %dma_wait3A_25 : memref<1x1280x32xf32, #tpu.memory_space<vmem>> -> memref<1280x32xf32, #tpu.memory_space<vmem>>
    %dma_wait3A_27 = arith.constant 0 : i32
    %dma_wait3A_28 = tpu.memref_slice %arg5[%mul3A_2, %dma_wait3A_27] : memref<3276800x128xf32, #tpu.memory_space<hbm>> -> memref<1280x32xf32, #tpu.memory_space<hbm>>
    %dma_wait3A_29 = arith.constant 0 : i32
    %dma_wait3A_30 = tpu.memref_slice %arg5[%mul3A_2, %dma_wait3A_29] : memref<3276800x128xf32, #tpu.memory_space<hbm>> -> memref<1280x32xf32, #tpu.memory_space<hbm>>
    %dma_wait3A_31 = arith.constant 0 : i32
    %dma_wait3A_32 = arith.constant 0 : i32
    %dma_wait3A_33 = tpu.memref_slice %arg9[%dma_wait3A, %dma_wait3A_31, %dma_wait3A_32] : memref<2x1280x32xf32, #tpu.memory_space<vmem>> -> memref<1x1280x32xf32, #tpu.memory_space<vmem>>
    %dma_wait3A_34 = tpu.memref_squeeze %dma_wait3A_33 : memref<1x1280x32xf32, #tpu.memory_space<vmem>> -> memref<1280x32xf32, #tpu.memory_space<vmem>>
    tpu.wait_dma2 semaphore(%arg12 : memref<!tpu.dma_semaphore, #tpu.memory_space<semaphore_mem>>) src(%dma_wait3A_34 : memref<1280x32xf32, #tpu.memory_space<vmem>>) dst(%dma_wait3A_30 : memref<1280x32xf32, #tpu.memory_space<hbm>>)
    %dma_wait3A_35 = arith.constant 1 : i32
    %dma_wait3A_36 = arith.constant 0 : i32
    %dma_wait3A_37 = arith.constant 0 : i32
    %dma_wait3A_38 = tpu.memref_slice %arg9[%dma_wait3A_35, %dma_wait3A_36, %dma_wait3A_37] : memref<2x1280x32xf32, #tpu.memory_space<vmem>> -> memref<1x1280x32xf32, #tpu.memory_space<vmem>>
    %dma_wait3A_39 = tpu.memref_squeeze %dma_wait3A_38 : memref<1x1280x32xf32, #tpu.memory_space<vmem>> -> memref<1280x32xf32, #tpu.memory_space<vmem>>
    %dma_wait3A_40 = arith.constant 0 : i32
    %dma_wait3A_41 = tpu.memref_slice %arg5[%mul3A_2, %dma_wait3A_40] : memref<3276800x128xf32, #tpu.memory_space<hbm>> -> memref<1280x32xf32, #tpu.memory_space<hbm>>
    %dma_wait3A_42 = arith.constant 0 : i32
    %dma_wait3A_43 = tpu.memref_slice %arg5[%mul3A_2, %dma_wait3A_42] : memref<3276800x128xf32, #tpu.memory_space<hbm>> -> memref<1280x32xf32, #tpu.memory_space<hbm>>
    %dma_wait3A_44 = arith.constant 0 : i32
    %dma_wait3A_45 = arith.constant 0 : i32
    %dma_wait3A_46 = tpu.memref_slice %arg9[%dma_wait3A_35, %dma_wait3A_44, %dma_wait3A_45] : memref<2x1280x32xf32, #tpu.memory_space<vmem>> -> memref<1x1280x32xf32, #tpu.memory_space<vmem>>
    %dma_wait3A_47 = tpu.memref_squeeze %dma_wait3A_46 : memref<1x1280x32xf32, #tpu.memory_space<vmem>> -> memref<1280x32xf32, #tpu.memory_space<vmem>>
    tpu.wait_dma2 semaphore(%arg13 : memref<!tpu.dma_semaphore, #tpu.memory_space<semaphore_mem>>) src(%dma_wait3A_47 : memref<1280x32xf32, #tpu.memory_space<vmem>>) dst(%dma_wait3A_43 : memref<1280x32xf32, #tpu.memory_space<hbm>>)
    return
  }
}

#map = affine_map<(d0, d1) -> (0)>
#map1 = affine_map<(d0, d1) -> (0, 0)>
module attributes {stable_mosaic.version = 14 : i64} {
  func.func @_obj_body(%arg0: i32, %arg1: i32, %arg2: memref<3276800xi32, #tpu.memory_space<hbm>>, %arg3: memref<100000x32xf32, #tpu.memory_space<hbm>>, %arg4: memref<3276800x128xf32, #tpu.memory_space<hbm>>, %arg5: memref<2x1280xi32, #tpu.memory_space<vmem>>, %arg6: memref<2x1280x32xf32, #tpu.memory_space<vmem>>, %arg7: memref<!tpu.dma_semaphore, #tpu.memory_space<semaphore_mem>>, %arg8: memref<!tpu.dma_semaphore, #tpu.memory_space<semaphore_mem>>, %arg9: memref<!tpu.dma_semaphore, #tpu.memory_space<semaphore_mem>>, %arg10: memref<!tpu.dma_semaphore, #tpu.memory_space<semaphore_mem>>) attributes {dimension_semantics = [#tpu.dimension_semantics<core_parallel>, #tpu.dimension_semantics<subcore_parallel>], iteration_bounds = array<i64: 2, 16>, scalar_prefetch = 0 : i64, scratch_operands = 6 : i64, tpu.core_type = #tpu.core_type<sc_vector_subcore>, window_params = [{transform_indices = #map}, {transform_indices = #map1}, {transform_indices = #map1}]} {
    %mul3A = arith.constant 2 : i32
    %mul3A_0 = arith.muli %arg1, %mul3A : i32
    %add3A = arith.addi %mul3A_0, %arg0 : i32
    %mul3A_1 = arith.constant 102400 : i32
    %mul3A_2 = arith.muli %add3A, %mul3A_1 : i32
    %add3A_3 = arith.constant 0 : i32
    %add3A_4 = arith.addi %mul3A_2, %add3A_3 : i32
    %run_scoped3A = arith.constant 0 : i32
    "tpu.region"() ({
      %run_scoped3A_46 = tpu.sem_alloc : memref<!tpu.dma_semaphore, #tpu.memory_space<semaphore_mem>>
      %dma_start3A_47 = arith.constant 0 : i32
      %dma_start3A_48 = tpu.memref_slice %arg5[%run_scoped3A, %dma_start3A_47] : memref<2x1280xi32, #tpu.memory_space<vmem>> -> memref<1x1280xi32, #tpu.memory_space<vmem>>
      %dma_start3A_49 = tpu.memref_squeeze %dma_start3A_48 : memref<1x1280xi32, #tpu.memory_space<vmem>> -> memref<1280xi32, #tpu.memory_space<vmem>>
      %dma_start3A_50 = tpu.memref_slice %arg2[%add3A_4] : memref<3276800xi32, #tpu.memory_space<hbm>> -> memref<1280xi32, #tpu.memory_space<hbm>>
      %dma_start3A_51 = arith.constant 0 : i32
      %dma_start3A_52 = tpu.memref_slice %arg5[%run_scoped3A, %dma_start3A_51] : memref<2x1280xi32, #tpu.memory_space<vmem>> -> memref<1x1280xi32, #tpu.memory_space<vmem>>
      %dma_start3A_53 = tpu.memref_squeeze %dma_start3A_52 : memref<1x1280xi32, #tpu.memory_space<vmem>> -> memref<1280xi32, #tpu.memory_space<vmem>>
      %dma_start3A_54 = tpu.memref_slice %arg2[%add3A_4] : memref<3276800xi32, #tpu.memory_space<hbm>> -> memref<1280xi32, #tpu.memory_space<hbm>>
      tpu.enqueue_dma source(%dma_start3A_54 : memref<1280xi32, #tpu.memory_space<hbm>>) target(%dma_start3A_53 : memref<1280xi32, #tpu.memory_space<vmem>>) target_semaphore(%run_scoped3A_46 : memref<!tpu.dma_semaphore, #tpu.memory_space<semaphore_mem>>)
      %dma_wait3A_55 = arith.constant 0 : i32
      %dma_wait3A_56 = tpu.memref_slice %arg5[%run_scoped3A, %dma_wait3A_55] : memref<2x1280xi32, #tpu.memory_space<vmem>> -> memref<1x1280xi32, #tpu.memory_space<vmem>>
      %dma_wait3A_57 = tpu.memref_squeeze %dma_wait3A_56 : memref<1x1280xi32, #tpu.memory_space<vmem>> -> memref<1280xi32, #tpu.memory_space<vmem>>
      %dma_wait3A_58 = tpu.memref_slice %arg2[%add3A_4] : memref<3276800xi32, #tpu.memory_space<hbm>> -> memref<1280xi32, #tpu.memory_space<hbm>>
      %dma_wait3A_59 = arith.constant 0 : i32
      %dma_wait3A_60 = tpu.memref_slice %arg5[%run_scoped3A, %dma_wait3A_59] : memref<2x1280xi32, #tpu.memory_space<vmem>> -> memref<1x1280xi32, #tpu.memory_space<vmem>>
      %dma_wait3A_61 = tpu.memref_squeeze %dma_wait3A_60 : memref<1x1280xi32, #tpu.memory_space<vmem>> -> memref<1280xi32, #tpu.memory_space<vmem>>
      %dma_wait3A_62 = tpu.memref_slice %arg2[%add3A_4] : memref<3276800xi32, #tpu.memory_space<hbm>> -> memref<1280xi32, #tpu.memory_space<hbm>>
      tpu.wait_dma2 semaphore(%run_scoped3A_46 : memref<!tpu.dma_semaphore, #tpu.memory_space<semaphore_mem>>) src(%dma_wait3A_62 : memref<1280xi32, #tpu.memory_space<hbm>>) dst(%dma_wait3A_61 : memref<1280xi32, #tpu.memory_space<vmem>>)
      tpu.yield
    }) : () -> ()
    %dma_start3A = arith.constant 0 : i32
    %dma_start3A_5 = arith.constant 0 : i32
    %dma_start3A_6 = arith.constant 0 : i32
    %dma_start3A_7 = arith.constant 0 : i32
    %dma_start3A_8 = tpu.memref_slice %arg6[%dma_start3A_5, %dma_start3A_6, %dma_start3A_7] : memref<2x1280x32xf32, #tpu.memory_space<vmem>> -> memref<1x1280x32xf32, #tpu.memory_space<vmem>>
    %dma_start3A_9 = tpu.memref_squeeze %dma_start3A_8 : memref<1x1280x32xf32, #tpu.memory_space<vmem>> -> memref<1280x32xf32, #tpu.memory_space<vmem>>
    %dma_start3A_10 = arith.constant 0 : i32
    %dma_start3A_11 = tpu.memref_slice %arg5[%dma_start3A, %dma_start3A_10] : memref<2x1280xi32, #tpu.memory_space<vmem>> -> memref<1x1280xi32, #tpu.memory_space<vmem>>
    %dma_start3A_12 = tpu.memref_squeeze %dma_start3A_11 : memref<1x1280xi32, #tpu.memory_space<vmem>> -> memref<1280xi32, #tpu.memory_space<vmem>>
    %dma_start3A_13 = arith.constant 0 : i32
    %dma_start3A_14 = arith.constant 0 : i32
    %dma_start3A_15 = tpu.memref_slice %arg3[%dma_start3A_13, %dma_start3A_14] : memref<100000x32xf32, #tpu.memory_space<hbm>> -> memref<100000x32xf32, #tpu.memory_space<hbm>>
    tpu.enqueue_indirect_dma source(%dma_start3A_15 : memref<100000x32xf32, #tpu.memory_space<hbm>>) target(%dma_start3A_9 : memref<1280x32xf32, #tpu.memory_space<vmem>>) offsets(%dma_start3A_12 : memref<1280xi32, #tpu.memory_space<vmem>>) semaphore(%arg7 : memref<!tpu.dma_semaphore, #tpu.memory_space<semaphore_mem>>)
    %scan3A = arith.constant 0 : i32
    %scan3A_16 = arith.constant 0 : i32
    %scan3A_17 = arith.constant 40 : i32
    %scan3A_18 = arith.addi %scan3A_16, %scan3A_17 : i32
    %scan3A_19 = arith.constant 1 : i32
    scf.for %scan3A_46 = %scan3A_16 to %scan3A_18 step %scan3A_19  : i32 {
      %mul3A_47 = arith.constant 2 : i32
      %mul3A_48 = arith.muli %scan3A_46, %mul3A_47 : i32
      %add3A_49 = arith.constant 0 : i32
      %add3A_50 = arith.addi %mul3A_48, %add3A_49 : i32
      %add3A_51 = arith.constant 1 : i32
      %add3A_52 = arith.addi %add3A_50, %add3A_51 : i32
      %lt3A = arith.constant 80 : i32
      %lt3A_53 = arith.cmpi slt, %add3A_52, %lt3A : i32
      %convert_element_type3A = arith.extui %lt3A_53 : i1 to i32
      %cond3A = arith.constant 0 : i32
      %cond3A_54 = arith.cmpi ne, %convert_element_type3A, %cond3A : i32
      scf.if %cond3A_54 {
        %ge3A = arith.constant 2 : i32
        %ge3A_127 = arith.cmpi sge, %add3A_52, %ge3A : i32
        %convert_element_type3A_128 = arith.extui %ge3A_127 : i1 to i32
        %cond3A_129 = arith.constant 0 : i32
        %cond3A_130 = arith.cmpi ne, %convert_element_type3A_128, %cond3A_129 : i32
        scf.if %cond3A_130 {
          %dma_wait3A_147 = arith.constant 1 : i32
          %dma_wait3A_148 = arith.constant 0 : i32
          %dma_wait3A_149 = arith.constant 0 : i32
          %dma_wait3A_150 = tpu.memref_slice %arg6[%dma_wait3A_147, %dma_wait3A_148, %dma_wait3A_149] : memref<2x1280x32xf32, #tpu.memory_space<vmem>> -> memref<1x1280x32xf32, #tpu.memory_space<vmem>>
          %dma_wait3A_151 = tpu.memref_squeeze %dma_wait3A_150 : memref<1x1280x32xf32, #tpu.memory_space<vmem>> -> memref<1280x32xf32, #tpu.memory_space<vmem>>
          %dma_wait3A_152 = arith.constant 0 : i32
          %dma_wait3A_153 = tpu.memref_slice %arg4[%mul3A_2, %dma_wait3A_152] : memref<3276800x128xf32, #tpu.memory_space<hbm>> -> memref<1280x32xf32, #tpu.memory_space<hbm>>
          %dma_wait3A_154 = arith.constant 0 : i32
          %dma_wait3A_155 = tpu.memref_slice %arg4[%mul3A_2, %dma_wait3A_154] : memref<3276800x128xf32, #tpu.memory_space<hbm>> -> memref<1280x32xf32, #tpu.memory_space<hbm>>
          %dma_wait3A_156 = arith.constant 0 : i32
          %dma_wait3A_157 = arith.constant 0 : i32
          %dma_wait3A_158 = tpu.memref_slice %arg6[%dma_wait3A_147, %dma_wait3A_156, %dma_wait3A_157] : memref<2x1280x32xf32, #tpu.memory_space<vmem>> -> memref<1x1280x32xf32, #tpu.memory_space<vmem>>
          %dma_wait3A_159 = tpu.memref_squeeze %dma_wait3A_158 : memref<1x1280x32xf32, #tpu.memory_space<vmem>> -> memref<1280x32xf32, #tpu.memory_space<vmem>>
          tpu.wait_dma2 semaphore(%arg10 : memref<!tpu.dma_semaphore, #tpu.memory_space<semaphore_mem>>) src(%dma_wait3A_159 : memref<1280x32xf32, #tpu.memory_space<vmem>>) dst(%dma_wait3A_155 : memref<1280x32xf32, #tpu.memory_space<hbm>>)
        } else {
        }
        %mul3A_131 = arith.constant 1280 : i32
        %mul3A_132 = arith.muli %add3A_52, %mul3A_131 : i32
        %add3A_133 = arith.addi %mul3A_2, %mul3A_132 : i32
        %run_scoped3A_134 = arith.constant 1 : i32
        "tpu.region"() ({
          %run_scoped3A_147 = tpu.sem_alloc : memref<!tpu.dma_semaphore, #tpu.memory_space<semaphore_mem>>
          %dma_start3A_148 = arith.constant 0 : i32
          %dma_start3A_149 = tpu.memref_slice %arg5[%run_scoped3A_134, %dma_start3A_148] : memref<2x1280xi32, #tpu.memory_space<vmem>> -> memref<1x1280xi32, #tpu.memory_space<vmem>>
          %dma_start3A_150 = tpu.memref_squeeze %dma_start3A_149 : memref<1x1280xi32, #tpu.memory_space<vmem>> -> memref<1280xi32, #tpu.memory_space<vmem>>
          %dma_start3A_151 = tpu.memref_slice %arg2[%add3A_133] : memref<3276800xi32, #tpu.memory_space<hbm>> -> memref<1280xi32, #tpu.memory_space<hbm>>
          %dma_start3A_152 = arith.constant 0 : i32
          %dma_start3A_153 = tpu.memref_slice %arg5[%run_scoped3A_134, %dma_start3A_152] : memref<2x1280xi32, #tpu.memory_space<vmem>> -> memref<1x1280xi32, #tpu.memory_space<vmem>>
          %dma_start3A_154 = tpu.memref_squeeze %dma_start3A_153 : memref<1x1280xi32, #tpu.memory_space<vmem>> -> memref<1280xi32, #tpu.memory_space<vmem>>
          %dma_start3A_155 = tpu.memref_slice %arg2[%add3A_133] : memref<3276800xi32, #tpu.memory_space<hbm>> -> memref<1280xi32, #tpu.memory_space<hbm>>
          tpu.enqueue_dma source(%dma_start3A_155 : memref<1280xi32, #tpu.memory_space<hbm>>) target(%dma_start3A_154 : memref<1280xi32, #tpu.memory_space<vmem>>) target_semaphore(%run_scoped3A_147 : memref<!tpu.dma_semaphore, #tpu.memory_space<semaphore_mem>>)
          %dma_wait3A_156 = arith.constant 0 : i32
          %dma_wait3A_157 = tpu.memref_slice %arg5[%run_scoped3A_134, %dma_wait3A_156] : memref<2x1280xi32, #tpu.memory_space<vmem>> -> memref<1x1280xi32, #tpu.memory_space<vmem>>
          %dma_wait3A_158 = tpu.memref_squeeze %dma_wait3A_157 : memref<1x1280xi32, #tpu.memory_space<vmem>> -> memref<1280xi32, #tpu.memory_space<vmem>>
          %dma_wait3A_159 = tpu.memref_slice %arg2[%add3A_133] : memref<3276800xi32, #tpu.memory_space<hbm>> -> memref<1280xi32, #tpu.memory_space<hbm>>
          %dma_wait3A_160 = arith.constant 0 : i32
          %dma_wait3A_161 = tpu.memref_slice %arg5[%run_scoped3A_134, %dma_wait3A_160] : memref<2x1280xi32, #tpu.memory_space<vmem>> -> memref<1x1280xi32, #tpu.memory_space<vmem>>
          %dma_wait3A_162 = tpu.memref_squeeze %dma_wait3A_161 : memref<1x1280xi32, #tpu.memory_space<vmem>> -> memref<1280xi32, #tpu.memory_space<vmem>>
          %dma_wait3A_163 = tpu.memref_slice %arg2[%add3A_133] : memref<3276800xi32, #tpu.memory_space<hbm>> -> memref<1280xi32, #tpu.memory_space<hbm>>
          tpu.wait_dma2 semaphore(%run_scoped3A_147 : memref<!tpu.dma_semaphore, #tpu.memory_space<semaphore_mem>>) src(%dma_wait3A_163 : memref<1280xi32, #tpu.memory_space<hbm>>) dst(%dma_wait3A_162 : memref<1280xi32, #tpu.memory_space<vmem>>)
          tpu.yield
        }) : () -> ()
        %dma_start3A_135 = arith.constant 1 : i32
        %dma_start3A_136 = arith.constant 1 : i32
        %dma_start3A_137 = arith.constant 0 : i32
        %dma_start3A_138 = arith.constant 0 : i32
        %dma_start3A_139 = tpu.memref_slice %arg6[%dma_start3A_136, %dma_start3A_137, %dma_start3A_138] : memref<2x1280x32xf32, #tpu.memory_space<vmem>> -> memref<1x1280x32xf32, #tpu.memory_space<vmem>>
        %dma_start3A_140 = tpu.memref_squeeze %dma_start3A_139 : memref<1x1280x32xf32, #tpu.memory_space<vmem>> -> memref<1280x32xf32, #tpu.memory_space<vmem>>
        %dma_start3A_141 = arith.constant 0 : i32
        %dma_start3A_142 = tpu.memref_slice %arg5[%dma_start3A_135, %dma_start3A_141] : memref<2x1280xi32, #tpu.memory_space<vmem>> -> memref<1x1280xi32, #tpu.memory_space<vmem>>
        %dma_start3A_143 = tpu.memref_squeeze %dma_start3A_142 : memref<1x1280xi32, #tpu.memory_space<vmem>> -> memref<1280xi32, #tpu.memory_space<vmem>>
        %dma_start3A_144 = arith.constant 0 : i32
        %dma_start3A_145 = arith.constant 0 : i32
        %dma_start3A_146 = tpu.memref_slice %arg3[%dma_start3A_144, %dma_start3A_145] : memref<100000x32xf32, #tpu.memory_space<hbm>> -> memref<100000x32xf32, #tpu.memory_space<hbm>>
        tpu.enqueue_indirect_dma source(%dma_start3A_146 : memref<100000x32xf32, #tpu.memory_space<hbm>>) target(%dma_start3A_140 : memref<1280x32xf32, #tpu.memory_space<vmem>>) offsets(%dma_start3A_143 : memref<1280xi32, #tpu.memory_space<vmem>>) semaphore(%arg8 : memref<!tpu.dma_semaphore, #tpu.memory_space<semaphore_mem>>)
      } else {
      }
      %dma_wait3A_55 = arith.constant 0 : i32
      %dma_wait3A_56 = arith.constant 0 : i32
      %dma_wait3A_57 = arith.constant 0 : i32
      %dma_wait3A_58 = arith.constant 0 : i32
      %dma_wait3A_59 = tpu.memref_slice %arg6[%dma_wait3A_56, %dma_wait3A_57, %dma_wait3A_58] : memref<2x1280x32xf32, #tpu.memory_space<vmem>> -> memref<1x1280x32xf32, #tpu.memory_space<vmem>>
      %dma_wait3A_60 = tpu.memref_squeeze %dma_wait3A_59 : memref<1x1280x32xf32, #tpu.memory_space<vmem>> -> memref<1280x32xf32, #tpu.memory_space<vmem>>
      %dma_wait3A_61 = arith.constant 0 : i32
      %dma_wait3A_62 = tpu.memref_slice %arg5[%dma_wait3A_55, %dma_wait3A_61] : memref<2x1280xi32, #tpu.memory_space<vmem>> -> memref<1x1280xi32, #tpu.memory_space<vmem>>
      %dma_wait3A_63 = tpu.memref_squeeze %dma_wait3A_62 : memref<1x1280xi32, #tpu.memory_space<vmem>> -> memref<1280xi32, #tpu.memory_space<vmem>>
      %dma_wait3A_64 = arith.constant 0 : i32
      %dma_wait3A_65 = arith.constant 0 : i32
      %dma_wait3A_66 = tpu.memref_slice %arg3[%dma_wait3A_64, %dma_wait3A_65] : memref<100000x32xf32, #tpu.memory_space<hbm>> -> memref<100000x32xf32, #tpu.memory_space<hbm>>
      tpu.wait_indirect_dma semaphore(%arg7 : memref<!tpu.dma_semaphore, #tpu.memory_space<semaphore_mem>>) src(%dma_wait3A_66 : memref<100000x32xf32, #tpu.memory_space<hbm>>) dst(%dma_wait3A_60 : memref<1280x32xf32, #tpu.memory_space<vmem>>)
      %parallel_loop3A = arith.constant 0 : i32
      %parallel_loop3A_67 = arith.constant 1280 : i32
      %parallel_loop3A_68 = arith.constant 1 : i32
      scf.for %parallel_loop3A_127 = %parallel_loop3A to %parallel_loop3A_67 step %parallel_loop3A_68  : i32 {
        %parallel_loop3A_128 = arith.constant 0 : i32
        %parallel_loop3A_129 = arith.index_cast %parallel_loop3A_128 : i32 to index
        %parallel_loop3A_130 = arith.index_cast %parallel_loop3A_127 : i32 to index
        %parallel_loop3A_131 = arith.constant 0 : index
        %parallel_loop3A_132 = tpu.vector_load %arg6[%parallel_loop3A_129, %parallel_loop3A_130, %parallel_loop3A_131] {strides = array<i32>} : memref<2x1280x32xf32, #tpu.memory_space<vmem>>, vector<1x1x16xf32>,
        %parallel_loop3A_133 = vector.shape_cast %parallel_loop3A_132 : vector<1x1x16xf32> to vector<16xf32>
        %parallel_loop3A_134 = arith.constant 0.000000e+00 : f32
        %parallel_loop3A_135 = vector.broadcast %parallel_loop3A_134 : f32 to vector<16xf32>
        %parallel_loop3A_136 = arith.maximumf %parallel_loop3A_133, %parallel_loop3A_135 : vector<16xf32>
        %parallel_loop3A_137 = arith.constant 0 : i32
        %parallel_loop3A_138 = arith.index_cast %parallel_loop3A_137 : i32 to index
        %parallel_loop3A_139 = arith.index_cast %parallel_loop3A_127 : i32 to index
        %parallel_loop3A_140 = arith.constant 0 : index
        %parallel_loop3A_141 = tpu.vector_load %arg6[%parallel_loop3A_138, %parallel_loop3A_139, %parallel_loop3A_140] {strides = array<i32>} : memref<2x1280x32xf32, #tpu.memory_space<vmem>>, vector<1x1x16xf32>,
        %parallel_loop3A_142 = vector.shape_cast %parallel_loop3A_141 : vector<1x1x16xf32> to vector<16xf32>
        %parallel_loop3A_143 = vector.shape_cast %parallel_loop3A_136 : vector<16xf32> to vector<1x1x16xf32>
        tpu.vector_store %arg6[%parallel_loop3A_138, %parallel_loop3A_139, %parallel_loop3A_140], %parallel_loop3A_143 {strides = array<i32>} : memref<2x1280x32xf32, #tpu.memory_space<vmem>>, vector<1x1x16xf32>,
        %parallel_loop3A_144 = arith.constant 0 : i32
        %parallel_loop3A_145 = arith.index_cast %parallel_loop3A_144 : i32 to index
        %parallel_loop3A_146 = arith.index_cast %parallel_loop3A_127 : i32 to index
        %parallel_loop3A_147 = arith.constant 16 : index
        %parallel_loop3A_148 = tpu.vector_load %arg6[%parallel_loop3A_145, %parallel_loop3A_146, %parallel_loop3A_147] {strides = array<i32>} : memref<2x1280x32xf32, #tpu.memory_space<vmem>>, vector<1x1x16xf32>,
        %parallel_loop3A_149 = vector.shape_cast %parallel_loop3A_148 : vector<1x1x16xf32> to vector<16xf32>
        %parallel_loop3A_150 = arith.constant 0.000000e+00 : f32
        %parallel_loop3A_151 = vector.broadcast %parallel_loop3A_150 : f32 to vector<16xf32>
        %parallel_loop3A_152 = arith.maximumf %parallel_loop3A_149, %parallel_loop3A_151 : vector<16xf32>
        %parallel_loop3A_153 = arith.constant 0 : i32
        %parallel_loop3A_154 = arith.index_cast %parallel_loop3A_153 : i32 to index
        %parallel_loop3A_155 = arith.index_cast %parallel_loop3A_127 : i32 to index
        %parallel_loop3A_156 = arith.constant 16 : index
        %parallel_loop3A_157 = tpu.vector_load %arg6[%parallel_loop3A_154, %parallel_loop3A_155, %parallel_loop3A_156] {strides = array<i32>} : memref<2x1280x32xf32, #tpu.memory_space<vmem>>, vector<1x1x16xf32>,
        %parallel_loop3A_158 = vector.shape_cast %parallel_loop3A_157 : vector<1x1x16xf32> to vector<16xf32>
        %parallel_loop3A_159 = vector.shape_cast %parallel_loop3A_152 : vector<16xf32> to vector<1x1x16xf32>
        tpu.vector_store %arg6[%parallel_loop3A_154, %parallel_loop3A_155, %parallel_loop3A_156], %parallel_loop3A_159 {strides = array<i32>} : memref<2x1280x32xf32, #tpu.memory_space<vmem>>, vector<1x1x16xf32>,
      } {sc.loop_unroll_factor = 8 : i64, sc.parallel_access}
      %mul3A_69 = arith.constant 1280 : i32
      %mul3A_70 = arith.muli %add3A_50, %mul3A_69 : i32
      %add3A_71 = arith.addi %mul3A_2, %mul3A_70 : i32
      %dma_start3A_72 = arith.constant 0 : i32
      %dma_start3A_73 = arith.constant 0 : i32
      %dma_start3A_74 = arith.constant 0 : i32
      %dma_start3A_75 = tpu.memref_slice %arg6[%dma_start3A_72, %dma_start3A_73, %dma_start3A_74] : memref<2x1280x32xf32, #tpu.memory_space<vmem>> -> memref<1x1280x32xf32, #tpu.memory_space<vmem>>
      %dma_start3A_76 = tpu.memref_squeeze %dma_start3A_75 : memref<1x1280x32xf32, #tpu.memory_space<vmem>> -> memref<1280x32xf32, #tpu.memory_space<vmem>>
      %dma_start3A_77 = arith.constant 0 : i32
      %dma_start3A_78 = tpu.memref_slice %arg4[%add3A_71, %dma_start3A_77] : memref<3276800x128xf32, #tpu.memory_space<hbm>> -> memref<1280x32xf32, #tpu.memory_space<hbm>>
      %dma_start3A_79 = arith.constant 0 : i32
      %dma_start3A_80 = tpu.memref_slice %arg4[%add3A_71, %dma_start3A_79] : memref<3276800x128xf32, #tpu.memory_space<hbm>> -> memref<1280x32xf32, #tpu.memory_space<hbm>>
      %dma_start3A_81 = arith.constant 0 : i32
      %dma_start3A_82 = arith.constant 0 : i32
      %dma_start3A_83 = tpu.memref_slice %arg6[%dma_start3A_72, %dma_start3A_81, %dma_start3A_82] : memref<2x1280x32xf32, #tpu.memory_space<vmem>> -> memref<1x1280x32xf32, #tpu.memory_space<vmem>>
      %dma_start3A_84 = tpu.memref_squeeze %dma_start3A_83 : memref<1x1280x32xf32, #tpu.memory_space<vmem>> -> memref<1280x32xf32, #tpu.memory_space<vmem>>
      tpu.enqueue_dma source(%dma_start3A_84 : memref<1280x32xf32, #tpu.memory_space<vmem>>) target(%dma_start3A_80 : memref<1280x32xf32, #tpu.memory_space<hbm>>) target_semaphore(%arg9 : memref<!tpu.dma_semaphore, #tpu.memory_space<semaphore_mem>>)
      %mul3A_85 = arith.constant 2 : i32
      %mul3A_86 = arith.muli %scan3A_46, %mul3A_85 : i32
      %add3A_87 = arith.constant 1 : i32
      %add3A_88 = arith.addi %mul3A_86, %add3A_87 : i32
      %add3A_89 = arith.constant 1 : i32
      %add3A_90 = arith.addi %add3A_88, %add3A_89 : i32
      %lt3A_91 = arith.constant 80 : i32
      %lt3A_92 = arith.cmpi slt, %add3A_90, %lt3A_91 : i32
      %convert_element_type3A_93 = arith.extui %lt3A_92 : i1 to i32
      %cond3A_94 = arith.constant 0 : i32
      %cond3A_95 = arith.cmpi ne, %convert_element_type3A_93, %cond3A_94 : i32
      scf.if %cond3A_95 {
        %ge3A = arith.constant 2 : i32
        %ge3A_127 = arith.cmpi sge, %add3A_90, %ge3A : i32
        %convert_element_type3A_128 = arith.extui %ge3A_127 : i1 to i32
        %cond3A_129 = arith.constant 0 : i32
        %cond3A_130 = arith.cmpi ne, %convert_element_type3A_128, %cond3A_129 : i32
        scf.if %cond3A_130 {
          %dma_wait3A_147 = arith.constant 0 : i32
          %dma_wait3A_148 = arith.constant 0 : i32
          %dma_wait3A_149 = arith.constant 0 : i32
          %dma_wait3A_150 = tpu.memref_slice %arg6[%dma_wait3A_147, %dma_wait3A_148, %dma_wait3A_149] : memref<2x1280x32xf32, #tpu.memory_space<vmem>> -> memref<1x1280x32xf32, #tpu.memory_space<vmem>>
          %dma_wait3A_151 = tpu.memref_squeeze %dma_wait3A_150 : memref<1x1280x32xf32, #tpu.memory_space<vmem>> -> memref<1280x32xf32, #tpu.memory_space<vmem>>
          %dma_wait3A_152 = arith.constant 0 : i32
          %dma_wait3A_153 = tpu.memref_slice %arg4[%mul3A_2, %dma_wait3A_152] : memref<3276800x128xf32, #tpu.memory_space<hbm>> -> memref<1280x32xf32, #tpu.memory_space<hbm>>
          %dma_wait3A_154 = arith.constant 0 : i32
          %dma_wait3A_155 = tpu.memref_slice %arg4[%mul3A_2, %dma_wait3A_154] : memref<3276800x128xf32, #tpu.memory_space<hbm>> -> memref<1280x32xf32, #tpu.memory_space<hbm>>
          %dma_wait3A_156 = arith.constant 0 : i32
          %dma_wait3A_157 = arith.constant 0 : i32
          %dma_wait3A_158 = tpu.memref_slice %arg6[%dma_wait3A_147, %dma_wait3A_156, %dma_wait3A_157] : memref<2x1280x32xf32, #tpu.memory_space<vmem>> -> memref<1x1280x32xf32, #tpu.memory_space<vmem>>
          %dma_wait3A_159 = tpu.memref_squeeze %dma_wait3A_158 : memref<1x1280x32xf32, #tpu.memory_space<vmem>> -> memref<1280x32xf32, #tpu.memory_space<vmem>>
          tpu.wait_dma2 semaphore(%arg9 : memref<!tpu.dma_semaphore, #tpu.memory_space<semaphore_mem>>) src(%dma_wait3A_159 : memref<1280x32xf32, #tpu.memory_space<vmem>>) dst(%dma_wait3A_155 : memref<1280x32xf32, #tpu.memory_space<hbm>>)
        } else {
        }
        %mul3A_131 = arith.constant 1280 : i32
        %mul3A_132 = arith.muli %add3A_90, %mul3A_131 : i32
        %add3A_133 = arith.addi %mul3A_2, %mul3A_132 : i32
        %run_scoped3A_134 = arith.constant 0 : i32
        "tpu.region"() ({
          %run_scoped3A_147 = tpu.sem_alloc : memref<!tpu.dma_semaphore, #tpu.memory_space<semaphore_mem>>
          %dma_start3A_148 = arith.constant 0 : i32
          %dma_start3A_149 = tpu.memref_slice %arg5[%run_scoped3A_134, %dma_start3A_148] : memref<2x1280xi32, #tpu.memory_space<vmem>> -> memref<1x1280xi32, #tpu.memory_space<vmem>>
          %dma_start3A_150 = tpu.memref_squeeze %dma_start3A_149 : memref<1x1280xi32, #tpu.memory_space<vmem>> -> memref<1280xi32, #tpu.memory_space<vmem>>
          %dma_start3A_151 = tpu.memref_slice %arg2[%add3A_133] : memref<3276800xi32, #tpu.memory_space<hbm>> -> memref<1280xi32, #tpu.memory_space<hbm>>
          %dma_start3A_152 = arith.constant 0 : i32
          %dma_start3A_153 = tpu.memref_slice %arg5[%run_scoped3A_134, %dma_start3A_152] : memref<2x1280xi32, #tpu.memory_space<vmem>> -> memref<1x1280xi32, #tpu.memory_space<vmem>>
          %dma_start3A_154 = tpu.memref_squeeze %dma_start3A_153 : memref<1x1280xi32, #tpu.memory_space<vmem>> -> memref<1280xi32, #tpu.memory_space<vmem>>
          %dma_start3A_155 = tpu.memref_slice %arg2[%add3A_133] : memref<3276800xi32, #tpu.memory_space<hbm>> -> memref<1280xi32, #tpu.memory_space<hbm>>
          tpu.enqueue_dma source(%dma_start3A_155 : memref<1280xi32, #tpu.memory_space<hbm>>) target(%dma_start3A_154 : memref<1280xi32, #tpu.memory_space<vmem>>) target_semaphore(%run_scoped3A_147 : memref<!tpu.dma_semaphore, #tpu.memory_space<semaphore_mem>>)
          %dma_wait3A_156 = arith.constant 0 : i32
          %dma_wait3A_157 = tpu.memref_slice %arg5[%run_scoped3A_134, %dma_wait3A_156] : memref<2x1280xi32, #tpu.memory_space<vmem>> -> memref<1x1280xi32, #tpu.memory_space<vmem>>
          %dma_wait3A_158 = tpu.memref_squeeze %dma_wait3A_157 : memref<1x1280xi32, #tpu.memory_space<vmem>> -> memref<1280xi32, #tpu.memory_space<vmem>>
          %dma_wait3A_159 = tpu.memref_slice %arg2[%add3A_133] : memref<3276800xi32, #tpu.memory_space<hbm>> -> memref<1280xi32, #tpu.memory_space<hbm>>
          %dma_wait3A_160 = arith.constant 0 : i32
          %dma_wait3A_161 = tpu.memref_slice %arg5[%run_scoped3A_134, %dma_wait3A_160] : memref<2x1280xi32, #tpu.memory_space<vmem>> -> memref<1x1280xi32, #tpu.memory_space<vmem>>
          %dma_wait3A_162 = tpu.memref_squeeze %dma_wait3A_161 : memref<1x1280xi32, #tpu.memory_space<vmem>> -> memref<1280xi32, #tpu.memory_space<vmem>>
          %dma_wait3A_163 = tpu.memref_slice %arg2[%add3A_133] : memref<3276800xi32, #tpu.memory_space<hbm>> -> memref<1280xi32, #tpu.memory_space<hbm>>
          tpu.wait_dma2 semaphore(%run_scoped3A_147 : memref<!tpu.dma_semaphore, #tpu.memory_space<semaphore_mem>>) src(%dma_wait3A_163 : memref<1280xi32, #tpu.memory_space<hbm>>) dst(%dma_wait3A_162 : memref<1280xi32, #tpu.memory_space<vmem>>)
          tpu.yield
        }) : () -> ()
        %dma_start3A_135 = arith.constant 0 : i32
        %dma_start3A_136 = arith.constant 0 : i32
        %dma_start3A_137 = arith.constant 0 : i32
        %dma_start3A_138 = arith.constant 0 : i32
        %dma_start3A_139 = tpu.memref_slice %arg6[%dma_start3A_136, %dma_start3A_137, %dma_start3A_138] : memref<2x1280x32xf32, #tpu.memory_space<vmem>> -> memref<1x1280x32xf32, #tpu.memory_space<vmem>>
        %dma_start3A_140 = tpu.memref_squeeze %dma_start3A_139 : memref<1x1280x32xf32, #tpu.memory_space<vmem>> -> memref<1280x32xf32, #tpu.memory_space<vmem>>
        %dma_start3A_141 = arith.constant 0 : i32
        %dma_start3A_142 = tpu.memref_slice %arg5[%dma_start3A_135, %dma_start3A_141] : memref<2x1280xi32, #tpu.memory_space<vmem>> -> memref<1x1280xi32, #tpu.memory_space<vmem>>
        %dma_start3A_143 = tpu.memref_squeeze %dma_start3A_142 : memref<1x1280xi32, #tpu.memory_space<vmem>> -> memref<1280xi32, #tpu.memory_space<vmem>>
        %dma_start3A_144 = arith.constant 0 : i32
        %dma_start3A_145 = arith.constant 0 : i32
        %dma_start3A_146 = tpu.memref_slice %arg3[%dma_start3A_144, %dma_start3A_145] : memref<100000x32xf32, #tpu.memory_space<hbm>> -> memref<100000x32xf32, #tpu.memory_space<hbm>>
        tpu.enqueue_indirect_dma source(%dma_start3A_146 : memref<100000x32xf32, #tpu.memory_space<hbm>>) target(%dma_start3A_140 : memref<1280x32xf32, #tpu.memory_space<vmem>>) offsets(%dma_start3A_143 : memref<1280xi32, #tpu.memory_space<vmem>>) semaphore(%arg7 : memref<!tpu.dma_semaphore, #tpu.memory_space<semaphore_mem>>)
      } else {
      }
      %dma_wait3A_96 = arith.constant 1 : i32
      %dma_wait3A_97 = arith.constant 1 : i32
      %dma_wait3A_98 = arith.constant 0 : i32
      %dma_wait3A_99 = arith.constant 0 : i32
      %dma_wait3A_100 = tpu.memref_slice %arg6[%dma_wait3A_97, %dma_wait3A_98, %dma_wait3A_99] : memref<2x1280x32xf32, #tpu.memory_space<vmem>> -> memref<1x1280x32xf32, #tpu.memory_space<vmem>>
      %dma_wait3A_101 = tpu.memref_squeeze %dma_wait3A_100 : memref<1x1280x32xf32, #tpu.memory_space<vmem>> -> memref<1280x32xf32, #tpu.memory_space<vmem>>
      %dma_wait3A_102 = arith.constant 0 : i32
      %dma_wait3A_103 = tpu.memref_slice %arg5[%dma_wait3A_96, %dma_wait3A_102] : memref<2x1280xi32, #tpu.memory_space<vmem>> -> memref<1x1280xi32, #tpu.memory_space<vmem>>
      %dma_wait3A_104 = tpu.memref_squeeze %dma_wait3A_103 : memref<1x1280xi32, #tpu.memory_space<vmem>> -> memref<1280xi32, #tpu.memory_space<vmem>>
      %dma_wait3A_105 = arith.constant 0 : i32
      %dma_wait3A_106 = arith.constant 0 : i32
      %dma_wait3A_107 = tpu.memref_slice %arg3[%dma_wait3A_105, %dma_wait3A_106] : memref<100000x32xf32, #tpu.memory_space<hbm>> -> memref<100000x32xf32, #tpu.memory_space<hbm>>
      tpu.wait_indirect_dma semaphore(%arg8 : memref<!tpu.dma_semaphore, #tpu.memory_space<semaphore_mem>>) src(%dma_wait3A_107 : memref<100000x32xf32, #tpu.memory_space<hbm>>) dst(%dma_wait3A_101 : memref<1280x32xf32, #tpu.memory_space<vmem>>)
      %parallel_loop3A_108 = arith.constant 0 : i32
      %parallel_loop3A_109 = arith.constant 1280 : i32
      %parallel_loop3A_110 = arith.constant 1 : i32
      scf.for %parallel_loop3A_127 = %parallel_loop3A_108 to %parallel_loop3A_109 step %parallel_loop3A_110  : i32 {
        %parallel_loop3A_128 = arith.constant 1 : i32
        %parallel_loop3A_129 = arith.index_cast %parallel_loop3A_128 : i32 to index
        %parallel_loop3A_130 = arith.index_cast %parallel_loop3A_127 : i32 to index
        %parallel_loop3A_131 = arith.constant 0 : index
        %parallel_loop3A_132 = tpu.vector_load %arg6[%parallel_loop3A_129, %parallel_loop3A_130, %parallel_loop3A_131] {strides = array<i32>} : memref<2x1280x32xf32, #tpu.memory_space<vmem>>, vector<1x1x16xf32>,
        %parallel_loop3A_133 = vector.shape_cast %parallel_loop3A_132 : vector<1x1x16xf32> to vector<16xf32>
        %parallel_loop3A_134 = arith.constant 0.000000e+00 : f32
        %parallel_loop3A_135 = vector.broadcast %parallel_loop3A_134 : f32 to vector<16xf32>
        %parallel_loop3A_136 = arith.maximumf %parallel_loop3A_133, %parallel_loop3A_135 : vector<16xf32>
        %parallel_loop3A_137 = arith.constant 1 : i32
        %parallel_loop3A_138 = arith.index_cast %parallel_loop3A_137 : i32 to index
        %parallel_loop3A_139 = arith.index_cast %parallel_loop3A_127 : i32 to index
        %parallel_loop3A_140 = arith.constant 0 : index
        %parallel_loop3A_141 = tpu.vector_load %arg6[%parallel_loop3A_138, %parallel_loop3A_139, %parallel_loop3A_140] {strides = array<i32>} : memref<2x1280x32xf32, #tpu.memory_space<vmem>>, vector<1x1x16xf32>,
        %parallel_loop3A_142 = vector.shape_cast %parallel_loop3A_141 : vector<1x1x16xf32> to vector<16xf32>
        %parallel_loop3A_143 = vector.shape_cast %parallel_loop3A_136 : vector<16xf32> to vector<1x1x16xf32>
        tpu.vector_store %arg6[%parallel_loop3A_138, %parallel_loop3A_139, %parallel_loop3A_140], %parallel_loop3A_143 {strides = array<i32>} : memref<2x1280x32xf32, #tpu.memory_space<vmem>>, vector<1x1x16xf32>,
        %parallel_loop3A_144 = arith.constant 1 : i32
        %parallel_loop3A_145 = arith.index_cast %parallel_loop3A_144 : i32 to index
        %parallel_loop3A_146 = arith.index_cast %parallel_loop3A_127 : i32 to index
        %parallel_loop3A_147 = arith.constant 16 : index
        %parallel_loop3A_148 = tpu.vector_load %arg6[%parallel_loop3A_145, %parallel_loop3A_146, %parallel_loop3A_147] {strides = array<i32>} : memref<2x1280x32xf32, #tpu.memory_space<vmem>>, vector<1x1x16xf32>,
        %parallel_loop3A_149 = vector.shape_cast %parallel_loop3A_148 : vector<1x1x16xf32> to vector<16xf32>
        %parallel_loop3A_150 = arith.constant 0.000000e+00 : f32
        %parallel_loop3A_151 = vector.broadcast %parallel_loop3A_150 : f32 to vector<16xf32>
        %parallel_loop3A_152 = arith.maximumf %parallel_loop3A_149, %parallel_loop3A_151 : vector<16xf32>
        %parallel_loop3A_153 = arith.constant 1 : i32
        %parallel_loop3A_154 = arith.index_cast %parallel_loop3A_153 : i32 to index
        %parallel_loop3A_155 = arith.index_cast %parallel_loop3A_127 : i32 to index
        %parallel_loop3A_156 = arith.constant 16 : index
        %parallel_loop3A_157 = tpu.vector_load %arg6[%parallel_loop3A_154, %parallel_loop3A_155, %parallel_loop3A_156] {strides = array<i32>} : memref<2x1280x32xf32, #tpu.memory_space<vmem>>, vector<1x1x16xf32>,
        %parallel_loop3A_158 = vector.shape_cast %parallel_loop3A_157 : vector<1x1x16xf32> to vector<16xf32>
        %parallel_loop3A_159 = vector.shape_cast %parallel_loop3A_152 : vector<16xf32> to vector<1x1x16xf32>
        tpu.vector_store %arg6[%parallel_loop3A_154, %parallel_loop3A_155, %parallel_loop3A_156], %parallel_loop3A_159 {strides = array<i32>} : memref<2x1280x32xf32, #tpu.memory_space<vmem>>, vector<1x1x16xf32>,
      } {sc.loop_unroll_factor = 8 : i64, sc.parallel_access}
      %mul3A_111 = arith.constant 1280 : i32
      %mul3A_112 = arith.muli %add3A_88, %mul3A_111 : i32
      %add3A_113 = arith.addi %mul3A_2, %mul3A_112 : i32
      %dma_start3A_114 = arith.constant 1 : i32
      %dma_start3A_115 = arith.constant 0 : i32
      %dma_start3A_116 = arith.constant 0 : i32
      %dma_start3A_117 = tpu.memref_slice %arg6[%dma_start3A_114, %dma_start3A_115, %dma_start3A_116] : memref<2x1280x32xf32, #tpu.memory_space<vmem>> -> memref<1x1280x32xf32, #tpu.memory_space<vmem>>
      %dma_start3A_118 = tpu.memref_squeeze %dma_start3A_117 : memref<1x1280x32xf32, #tpu.memory_space<vmem>> -> memref<1280x32xf32, #tpu.memory_space<vmem>>
      %dma_start3A_119 = arith.constant 0 : i32
      %dma_start3A_120 = tpu.memref_slice %arg4[%add3A_113, %dma_start3A_119] : memref<3276800x128xf32, #tpu.memory_space<hbm>> -> memref<1280x32xf32, #tpu.memory_space<hbm>>
      %dma_start3A_121 = arith.constant 0 : i32
      %dma_start3A_122 = tpu.memref_slice %arg4[%add3A_113, %dma_start3A_121] : memref<3276800x128xf32, #tpu.memory_space<hbm>> -> memref<1280x32xf32, #tpu.memory_space<hbm>>
      %dma_start3A_123 = arith.constant 0 : i32
      %dma_start3A_124 = arith.constant 0 : i32
      %dma_start3A_125 = tpu.memref_slice %arg6[%dma_start3A_114, %dma_start3A_123, %dma_start3A_124] : memref<2x1280x32xf32, #tpu.memory_space<vmem>> -> memref<1x1280x32xf32, #tpu.memory_space<vmem>>
      %dma_start3A_126 = tpu.memref_squeeze %dma_start3A_125 : memref<1x1280x32xf32, #tpu.memory_space<vmem>> -> memref<1280x32xf32, #tpu.memory_space<vmem>>
      tpu.enqueue_dma source(%dma_start3A_126 : memref<1280x32xf32, #tpu.memory_space<vmem>>) target(%dma_start3A_122 : memref<1280x32xf32, #tpu.memory_space<hbm>>) target_semaphore(%arg10 : memref<!tpu.dma_semaphore, #tpu.memory_space<semaphore_mem>>)
    }
    %scan3A_20 = arith.constant 40 : i32
    %dma_wait3A = arith.constant 0 : i32
    %dma_wait3A_21 = arith.constant 0 : i32
    %dma_wait3A_22 = arith.constant 0 : i32
    %dma_wait3A_23 = tpu.memref_slice %arg6[%dma_wait3A, %dma_wait3A_21, %dma_wait3A_22] : memref<2x1280x32xf32, #tpu.memory_space<vmem>> -> memref<1x1280x32xf32, #tpu.memory_space<vmem>>
    %dma_wait3A_24 = tpu.memref_squeeze %dma_wait3A_23 : memref<1x1280x32xf32, #tpu.memory_space<vmem>> -> memref<1280x32xf32, #tpu.memory_space<vmem>>
    %dma_wait3A_25 = arith.constant 0 : i32
    %dma_wait3A_26 = tpu.memref_slice %arg4[%mul3A_2, %dma_wait3A_25] : memref<3276800x128xf32, #tpu.memory_space<hbm>> -> memref<1280x32xf32, #tpu.memory_space<hbm>>
    %dma_wait3A_27 = arith.constant 0 : i32
    %dma_wait3A_28 = tpu.memref_slice %arg4[%mul3A_2, %dma_wait3A_27] : memref<3276800x128xf32, #tpu.memory_space<hbm>> -> memref<1280x32xf32, #tpu.memory_space<hbm>>
    %dma_wait3A_29 = arith.constant 0 : i32
    %dma_wait3A_30 = arith.constant 0 : i32
    %dma_wait3A_31 = tpu.memref_slice %arg6[%dma_wait3A, %dma_wait3A_29, %dma_wait3A_30] : memref<2x1280x32xf32, #tpu.memory_space<vmem>> -> memref<1x1280x32xf32, #tpu.memory_space<vmem>>
    %dma_wait3A_32 = tpu.memref_squeeze %dma_wait3A_31 : memref<1x1280x32xf32, #tpu.memory_space<vmem>> -> memref<1280x32xf32, #tpu.memory_space<vmem>>
    tpu.wait_dma2 semaphore(%arg9 : memref<!tpu.dma_semaphore, #tpu.memory_space<semaphore_mem>>) src(%dma_wait3A_32 : memref<1280x32xf32, #tpu.memory_space<vmem>>) dst(%dma_wait3A_28 : memref<1280x32xf32, #tpu.memory_space<hbm>>)
    %dma_wait3A_33 = arith.constant 1 : i32
    %dma_wait3A_34 = arith.constant 0 : i32
    %dma_wait3A_35 = arith.constant 0 : i32
    %dma_wait3A_36 = tpu.memref_slice %arg6[%dma_wait3A_33, %dma_wait3A_34, %dma_wait3A_35] : memref<2x1280x32xf32, #tpu.memory_space<vmem>> -> memref<1x1280x32xf32, #tpu.memory_space<vmem>>
    %dma_wait3A_37 = tpu.memref_squeeze %dma_wait3A_36 : memref<1x1280x32xf32, #tpu.memory_space<vmem>> -> memref<1280x32xf32, #tpu.memory_space<vmem>>
    %dma_wait3A_38 = arith.constant 0 : i32
    %dma_wait3A_39 = tpu.memref_slice %arg4[%mul3A_2, %dma_wait3A_38] : memref<3276800x128xf32, #tpu.memory_space<hbm>> -> memref<1280x32xf32, #tpu.memory_space<hbm>>
    %dma_wait3A_40 = arith.constant 0 : i32
    %dma_wait3A_41 = tpu.memref_slice %arg4[%mul3A_2, %dma_wait3A_40] : memref<3276800x128xf32, #tpu.memory_space<hbm>> -> memref<1280x32xf32, #tpu.memory_space<hbm>>
    %dma_wait3A_42 = arith.constant 0 : i32
    %dma_wait3A_43 = arith.constant 0 : i32
    %dma_wait3A_44 = tpu.memref_slice %arg6[%dma_wait3A_33, %dma_wait3A_42, %dma_wait3A_43] : memref<2x1280x32xf32, #tpu.memory_space<vmem>> -> memref<1x1280x32xf32, #tpu.memory_space<vmem>>
    %dma_wait3A_45 = tpu.memref_squeeze %dma_wait3A_44 : memref<1x1280x32xf32, #tpu.memory_space<vmem>> -> memref<1280x32xf32, #tpu.memory_space<vmem>>
    tpu.wait_dma2 semaphore(%arg10 : memref<!tpu.dma_semaphore, #tpu.memory_space<semaphore_mem>>) src(%dma_wait3A_45 : memref<1280x32xf32, #tpu.memory_space<vmem>>) dst(%dma_wait3A_41 : memref<1280x32xf32, #tpu.memory_space<hbm>>)
    return
  }
}

</mosaic_0001>

<sc_bundles>
// kernel: kernel.4.cloned.1.call-start
scs
__scs_entry_jumppad:
0x0: {  	(pc) =	sbr.rel $0x88, $3  }
0x1: {  	(tag) =	ssettag $0x0;
	lr =	simm.s32 $0x1  }
0x2: {  	[smem:$0x3F9C] =	sst lr;
	_ =	strace $0xD0000000  }
0x3: {  	_ = 	snop  }
0x4: {  	_ = 	snop  }
0x5: {  	_ = 	snop  }
0x6: {  	_ = 	snop  }
0x7: {  	_ = 	snop  }
__scs_overlays_trampoline_lowered:
0x8: {  	[smem:$0x3FAB] =	sst s0  }
0x9: {  	[smem:$0x3FAC] =	sst s1  }
0xa: {  	[smem:$0x3FAD] =	sst s2  }
0xb: {  	[smem:$0x3FAE] =	sst s3  }
0xc: {  	[smem:$0x3FAF] =	sst s4  }
0xd: {  	[smem:$0x3FB0] =	sst s5  }
0xe: {  	[smem:$0x3FB1] =	sst s6  }
0xf: {  	[smem:$0x3FB2] =	sst s7  }
0x10: {  	[smem:$0x3FB3] =	sst s8  }
0x11: {  	[smem:$0x3FB4] =	sst s9;
	s0 =	simm.s32 @!p0 $0x0  }
0x12: {  	s1 =	sld [smem:$0x3F9A];
	s0 =	simm.s32 @p0 $0x1  }
0x13: {  	[smem:$0x3FB5] =	sst s0;
	s0 =	simm.s32 @!p1 $0x0  }
0x14: {  	s2 =	sld [smem:$0x3F99];
	s0 =	simm.s32 @p1 $0x1  }
0x15: {  	[smem:$0x3FB6] =	sst s0;
	s0 =	simm.s32 @!p2 $0x0  }
0x16: {  	s3 =	sld [smem:$0x3FDB];
	s0 =	simm.s32 @p2 $0x1  }
0x17: {  	s4 =	simm.s32 $0x1BF5;
	[smem:$0x3FB8] =	sst s0  }
0x18: {  	s0 =	sld [smem:$0x3F9B];
	_ =	swait.ge [sflag:s4], $0x0  }
0x19: {  	s7 =	sld [smem:$0x3F9C]  }
0x1a: {  	s8 =	sadd.s32 $0xFFFFE003, lr  }
0x1b: {  	s9 =	sadd.s32 $0xFFFFFEF7, lr;
	s5 =	simm.s32 $0xFFFFFFFF;
	p2 =	slt.u32 s8, $0xFFFFF086  }
0x1c: {  	p1 =	slt.u32 s9, $0xF7A;
	s5 =	simm.s32 @!p2 $0x0  }
0x1d: {  	s5 =	simm.s32 @p1 $0x1;
	p0 =	seq.s32 s7, s2  }
0x1e: {  	s7 =	smul.u32 @!p0 $0xF7A, s2;
	p2 =	seq.s32 @!p0 s5, $0x0  }
0x1f: {  	s9 =	smul.u32 $0xF7A, s1;
	s8 =	simm.s32 @!p0 $0x1BF5;
	p2 =	por !p2, p0  }
0x20: {  	[sflag:s8] =	ssyncset.s32 @!p0 $0xFFFFF086;
	s6 =	sadd.s32 @!p0 s3, s7;
	s7 =	simm.s32 @!p0 $0x108  }
0x21: {  	s3 =	sadd.s32 s3, s9;
	s6 =	sadd.s32 @!p0 $0x88, s6;
	s7 =	simm.s32 @p2 $0x1082  }
0x22: {  	[simem:s7], [sflag:s8] =	dma.local @!p0 [hbm:s6], $0xF7A  }
0x23: {  	s9 =	sor.u32 $0xD0000000, s2;
	s6 =	simm.s32 $0x108;
	_ =	swait.ge @!p0 [sflag:s8], $0x0  }
0x24: {  	s3 =	sadd.s32 $0x88, s3;
	s6 =	simm.s32 @!p1 $0x1082;
	[sflag:s4] =	ssyncset.s32 $0xFFFFF086  }
0x25: {  	[simem:s6], [sflag:s4] =	dma.local [hbm:s3], $0xF7A  }
0x26: {  	[smem:$0x3F9C] =	sst s1;
	(tag) =	ssettag s2;
	_ =	strace s9  }
0x27: {  	s1 =	sld [smem:$0x3FAC]  }
0x28: {  	s2 =	sld [smem:$0x3FAD]  }
0x29: {  	s4 =	sld [smem:$0x3FAF]  }
0x2a: {  	p0 =	seq.s32 s5, $0x0;
	s5 =	sld [smem:$0x3FB0]  }
0x2b: {  	s6 =	sld [smem:$0x3FB1]  }
0x2c: {  	s7 =	sld [smem:$0x3FB2]  }
0x2d: {  	s3 =	simm.s32 $0x108;
	s8 =	sld [smem:$0x3FB3]  }
0x2e: {  	s3 =	simm.s32 @!p0 $0x1082;
	s9 =	sld [smem:$0x3FB4]  }
0x2f: {  	lr =	sadd.s32 s0, s3;
	s0 =	sld [smem:$0x3FAB]  }
0x30: {  	s3 =	sld [smem:$0x3FAE]  }
0x31: {  	[smem:$0x3FB7] =	sst s10  }
0x32: {  	s10 =	sld [smem:$0x3FB5];
	_ =	sdelay $0x3  }
0x33: {  	p0 =	seq.s32 s10, $0x1;
	s10 =	sld [smem:$0x3FB7];
	_ =	sdelay $0x3  }
0x34: {  	[smem:$0x3FB7] =	sst s10  }
0x35: {  	s10 =	sld [smem:$0x3FB6];
	_ =	sdelay $0x3  }
0x36: {  	p1 =	seq.s32 s10, $0x1;
	s10 =	sld [smem:$0x3FB7];
	_ =	sdelay $0x3  }
0x37: {  	[smem:$0x3FB7] =	sst s10  }
0x38: {  	s10 =	sld [smem:$0x3FB8]  }
0x39: {  	_ = 	snop;
	(pc) =	sbr.ind lr, $3  }
0x3a: {  	_ = 	snop  }
0x3b: {  	_ = 	snop  }
0x3c: {  	p2 =	seq.s32 s10, $0x1;
	s10 =	sld [smem:$0x3FB7]  }
0x3d: {  	_ =	shalt  }
0x3e: {  	_ =	shalt  }
0x3f: {  	_ =	shalt  }
0x40: {  	_ =	shalt  }
0x41: {  	_ =	shalt  }
0x42: {  	_ =	shalt  }
0x43: {  	_ =	shalt  }
0x44: {  	_ =	shalt  }
0x45: {  	_ =	shalt  }
0x46: {  	_ =	shalt  }
0x47: {  	_ =	shalt  }
0x48: {  	_ =	shalt  }
0x49: {  	_ =	shalt  }
0x4a: {  	_ =	shalt  }
0x4b: {  	_ =	shalt  }
0x4c: {  	_ =	shalt  }
0x4d: {  	_ =	shalt  }
0x4e: {  	_ =	shalt  }
0x4f: {  	_ =	shalt  }
0x50: {  	_ =	shalt  }
0x51: {  	_ =	shalt  }
0x52: {  	_ =	shalt  }
0x53: {  	_ =	shalt  }
0x54: {  	_ =	shalt  }
0x55: {  	_ =	shalt  }
0x56: {  	_ =	shalt  }
0x57: {  	_ =	shalt  }
0x58: {  	_ =	shalt  }
0x59: {  	_ =	shalt  }
0x5a: {  	_ =	shalt  }
0x5b: {  	_ =	shalt  }
0x5c: {  	_ =	shalt  }
0x5d: {  	_ =	shalt  }
0x5e: {  	_ =	shalt  }
0x5f: {  	_ =	shalt  }
0x60: {  	_ =	shalt  }
0x61: {  	_ =	shalt  }
0x62: {  	_ =	shalt  }
0x63: {  	_ =	shalt  }
0x64: {  	_ =	shalt  }
0x65: {  	_ =	shalt  }
0x66: {  	_ =	shalt  }
0x67: {  	_ =	shalt  }
0x68: {  	_ =	shalt  }
0x69: {  	_ =	shalt  }
0x6a: {  	_ =	shalt  }
0x6b: {  	_ =	shalt  }
0x6c: {  	_ =	shalt  }
0x6d: {  	_ =	shalt  }
0x6e: {  	_ =	shalt  }
0x6f: {  	_ =	shalt  }
0x70: {  	_ =	shalt  }
0x71: {  	_ =	shalt  }
0x72: {  	_ =	shalt  }
0x73: {  	_ =	shalt  }
0x74: {  	_ =	shalt  }
0x75: {  	_ =	shalt  }
0x76: {  	_ =	shalt  }
0x77: {  	_ =	shalt  }
0x78: {  	_ =	shalt  }
0x79: {  	_ =	shalt  }
0x7a: {  	_ =	shalt  }
0x7b: {  	_ =	shalt  }
0x7c: {  	_ =	shalt  }
0x7d: {  	_ =	shalt  }
0x7e: {  	_ =	shalt  }
0x7f: {  	_ =	shalt  }
0x80: {  	_ =	shalt  }
0x81: {  	_ =	shalt  }
0x82: {  	_ =	shalt  }
0x83: {  	_ =	shalt  }
0x84: {  	_ =	shalt  }
0x85: {  	_ =	shalt  }
0x86: {  	_ =	shalt  }
0x87: {  	_ =	shalt  }
.Lfunc_end0:
.L_simem_size_0:
called_computation.2_lowered:
.L_overlay_start_0:
0x88: {  	s2 =	sld [smem:$0x3FD9]  }
0x89: {  	s3 =	sld [smem:$0x3FFE];
	_ =	sdelay $0x1  }
0x8a: {  	s1 =	srdreg.scid  }
0x8b: {  	s0 =	sand.u32 $0x1, s1  }
0x8c: {  	s14 =	sshll.u32 s0, $0xA;
	s2 =	sadd.s32 s3, s2  }
0x8d: {  	s2 =	sadd.s32 s2, s14  }
0x8e: {  	[smem:$0x3FC3] =	sst s2  }
0x8f: {  	_ = 	snop  }
0x90: {  	s2 =	sld [smem:$0x3FD0];
	_ =	sdelay $0x2  }
0x91: {  	s15 =	simm.s32 $0xB;
	s4 =	simm.s32 $0x10  }
0x92: {  	[smem:s4], [sflag:s15] =	dma.local [hbm:s2], $0x1  }
0x93: {  	_ =	swait.eq [sflag:s15], $0x1  }
0x94: {  	[sflag:s15] =	ssyncset.done $0x0  }
0x95: {  	[sflag:s15] =	ssyncadd.s32 $0xFFFFFFFF  }
0x96: {  	s16 =	sld [smem:$0x10];
	(tm) =	ssettm $0x1  }
0x97: {  	s17 =	sld [smem:$0x3FFB];
	_ =	sdelay $0x3  }
0x98: {  	_ =	strace s17  }
0x99: {  	s3 =	sld [smem:$0x3FFC];
	_ =	sdelay $0x3  }
0x9a: {  	_ =	strace s3  }
0x9b: {  	s3 =	sld [smem:$0x3FFD];
	_ =	sdelay $0x3  }
0x9c: {  	_ =	strace s3  }
0x9d: {  	_ =	strace $0x8FFFFFFF  }
0x9e: {  	s18 =	sld [smem:$0x3FDB];
	_ =	sdelay $0x1  }
0x9f: {  	s19 =	simm.s32 $_scs_section_size  }
0xa0: {  	s5 =	simm.s32 $_size__tile_overlayer_lowered;
	s6 =	simm.s32 $_tile_overlayer_lowered  }
0xa1: {  	s22 =	simm.s32 $0x1BFF;
	s21 =	sshll.u32 s6, $0x1;
	s3 =	sadd.s32 s19, s18  }
0xa2: {  	s7 =	simm.s32 $0x0;
	s20 =	sshll.u32 s5, $0x1;
	s5 =	sadd.s32 s21, s3  }
0xa3: {  	[timem:s7], [sflag:s22] =	dma.local [hbm:s5], s20  }
0xa4: {  	_ =	swait.ge [sflag:s22], s20  }
0xa5: {  	s4 =	ssub.s32 $0x0, s20;
	[sflag:s22] =	ssyncset.done $0x0  }
0xa6: {  	[sflag:s22] =	ssyncadd.s32 s4;
	_ =	sdelay $0x1  }
0xa7: {  	s23 =	simm.s32 $0x1B8B  }
0xa8: {  	_ =	swait.ge [sflag:s23], $0x1  }
0xa9: {  	[sflag:s23] =	ssyncset.done $0x0  }
0xaa: {  	s25 =	simm.s32 $0x1B8E;
	s24 =	sld [smem:$0x3FFE];
	[sflag:s23] =	ssyncadd.s32 $0xFFFFFFFF  }
0xab: {  	s26 =	simm.s32 $execute0_lowered;
	[smem:$0x3FD2] =	sst s25  }
0xac: {  	s5 =	sshll.u32 s26, $0x1;
	_ =	strace $0x80000046;
	[dreg:$0x1] =	wrdreg $0xFFFFFFFF  }
0xad: {  	s28 =	simm.s32 $_size_execute0_lowered;
	s3 =	sadd.s32 s3, s5;
	[dreg:$0x0] =	wrdreg $0x0  }
0xae: {  	s5 =	sshll.u32 s28, $0x1;
	[dreg:$0x2] =	wrdreg s3  }
0xaf: {  	[dreg:$0x3] =	wrdreg s5  }
0xb0: {  	[dreg:$0x4] =	wrdreg $0xC0  }
0xb1: {  	_ =	task [dreg:s7], $0x5FFFF  }
0xb2: {  	[dreg:$0x1] =	wrdreg $0xFFFFFFFF  }
0xb3: {  	[dreg:$0x0] =	wrdreg $0x60  }
0xb4: {  	[dreg:$0x2] =	wrdreg s24  }
0xb5: {  	[dreg:$0x3] =	wrdreg s16  }
0xb6: {  	[dreg:$0x4] =	wrdreg $0x9  }
0xb7: {  	_ =	task.clear_ibuf [dreg:s7], $0x5FFFF;
	_ =	strace $0x90000046  }
0xb8: {  	s29 =	simm.s32 $0x9;
	_ =	strace $0x80000048  }
0xb9: {  	_ =	swait.ge [sflag:s29], $0x1  }
0xba: {  	[sflag:s29] =	ssyncadd.s32 $0xFFFFFFFF  }
0xbb: {  	_ =	strace $0x90000048  }
0xbc: {  	_ =	sfence  }
0xbd: {  	s30 =	sld [smem:$0x0];
	_ =	sdelay $0x2  }
0xbe: {  	s31 =	sshll.u32 s1, $0xD;
	s1 =	sshrl.u32 s1, $0x2  }
0xbf: {  	s3 =	sand.u32 $0x4000, s31;
	s1 =	sadd.s32 s1, s30  }
0xc0: {  	s0 =	sor.u32 s3, s0;
	s1 =	sshll.u32 s1, $0x11  }
0xc1: {  	s0 =	sor.u32 s1, s0  }
0xc2: {  	s0 =	sadd.s32 $0x8F2B, s0  }
0xc3: {  	[sflag:s0] =	ssyncadd.remote.s32 $0x1  }
0xc4: {  	_ =	sfence.sel $0xFFFF  }
0xc5: {  	[dreg:$0x0] =	wrdreg $0xFFFFFFFF;
	(pc) =	sbr.abs _section_cstart, $3  }
0xc6: {  	[dreg:$0x1] =	wrdreg $0xFFFFFFFF  }
0xc7: {  	_ =	task.clear_ibuf [dreg:s7], $0x2FFFF;
	_ =	strace $0x9FFFFFFF  }
0xc8: {  	(tm) =	ssettm $0x7FFFFFFF  }
0xc9: {  	_ =	shalt  }
tec
execute0_lowered:
.L_overlay_start_1:
0x0: {  	(tag) =	ssettag $0x1  }
0x1: {  	s0 =	rddreg [dreg:$0x0]  }
0x2: {  	s2 =	rddreg [dreg:$0x1];
	s1 =	srdreg.scid  }
0x3: {  	s4 =	stileid.u32;
	s3 =	simm.s32 $0x0;
	s13 =	simm.s32 $0xA00  }
0x4: {  	s14 =	simm.s32 $0x5;
	s15 =	simm.s32 $0xF00;
	s16 =	simm.s32 $0x500  }
0x5: {  	s17 =	simm.s32 $0x1400;
	s18 =	simm.s32 $0xB400;
	s19 =	simm.s32 $0x1  }
0x6: {  	s20 =	simm.s32 $0x20;
	s21 =	simm.s32 $0x80;
	s22 =	simm.s32 $0x2  }
0x7: {  	s23 =	simm.s32 $0x3;
	s24 =	simm.s32 $0x4;
	s25 =	simm.s32 $0x0  }
0x8: {  	s1 =	sand.u32 $0x1, s1;
	s4 =	sshll.u32 s4, $0x1;
	[smem:$0x7FF] =	sst s3  }
0x9: {  	s5 =	sadd.s32 $0x2400, s0;
	s4 =	sor.u32 s1, s4;
	s1 =	ssub.s32 $0x2, s1  }
0xa: {  	s6 =	sadd.s32 $0x66400, s0;
	s4 =	smul.u32 $0x19000, s4;
	s8 =	sshrl.u32 s1, $0x1  }
0xb: {  	s7 =	sadd.s32 $0xCA400, s0;
	_ =	strace $0x80000047;
	s30 =	ssub.s32 s1, s8  }
0xc: {  	s31 =	sshrl.u32 s4, $0x3;
	s10 =	sor.u32 $0x500, s4;
	s11 =	sor.u32 $0xA00, s4  }
0xd: {  	s12 =	smax.u32 s30, $0x1;
	s8 =	sadd.s32 s5, s31;
	s9 =	sadd.s32 s6, s31  }
.LBB2_1:
0xe: {  	[tilespmem:s13], [sflag:$0x5] =	stream.linear.gather [hbm4b:s8+s3], $0x500, $0x38;
	[tilespmem:$0x15400] =	vst v63  }
0xf: {  	_ =	swait.ge [sflag:s14], $0x500  }
0x10: {  	[sflag:s14] =	ssyncset.done $0x0  }
0x11: {  	[sflag:s14] =	ssyncadd.s32 $0xFFFFFB00  }
0x12: {  	[tilespmem:s15], [sflag:$0x5] =	stream.linear.gather [hbm4b:s9+s3], $0x500, $0x38;
	[tilespmem:$0x15400] =	vst v63  }
0x13: {  	_ =	swait.ge [sflag:s14], $0x500  }
0x14: {  	[sflag:s14] =	ssyncset.done $0x0  }
0x15: {  	s1 =	simm.s32 $0xA40;
	[sflag:s14] =	ssyncadd.s32 $0xFFFFFB00  }
0x16: {  	s26 =	simm.s32 $0xF40;
	v1 =	vld [tilespmem:s1+$0x30]  }
0x17: {  	v2 =	vld [tilespmem:s26+$0x30]  }
0x18: {  	v0 =	vld [tilespmem:s26+$0xFFFFFFC0]  }
0x19: {  	v3 =	vld [tilespmem:s1+$0xFFFFFFD0]  }
0x1a: {  	v4 =	vld [tilespmem:s26+$0xFFFFFFD0]  }
0x1b: {  	v5 =	vld [tilespmem:s1+$0xFFFFFFE0]  }
0x1c: {  	v6 =	vld [tilespmem:s26+$0xFFFFFFE0]  }
0x1d: {  	v7 =	vld [tilespmem:s1+$0xFFFFFFF0]  }
0x1e: {  	v8 =	vld [tilespmem:s26+$0xFFFFFFF0]  }
0x1f: {  	v9 =	vld [tilespmem:s1+$0x0]  }
0x20: {  	v10 =	vld [tilespmem:s26+$0x0];
	v2 =	vmul.u32 v1, v2  }
0x21: {  	s28 =	simm.s32 $0x40;
	v4 =	vmul.u32 v3, v4;
	v1 =	vld [tilespmem:s1+$0x10]  }
0x22: {  	v5 =	vmul.u32 v5, v6;
	v3 =	vld [tilespmem:s26+$0x10];
	[tilespmem:s28+$0x30] =	vst v2  }
0x23: {  	v6 =	vmul.u32 v7, v8;
	[tilespmem:s28+$0xFFFFFFD0] =	vst v4;
	v2 =	vld [tilespmem:s1+$0x20]  }
0x24: {  	[tilespmem:s28+$0xFFFFFFE0] =	vst v5;
	v5 =	vld [tilespmem:s26+$0x20]  }
0x25: {  	s0 =	simm.s32 $0x0;
	s29 =	simm.s32 $0xAC0;
	v4 =	vld [tilespmem:s1+$0xFFFFFFC0];
	[tilespmem:s28+$0xFFFFFFF0] =	vst v6;
	v6 =	vmul.u32 v9, v10  }
.LBB2_2:
0x26: {  	v7 =	vld [tilespmem:s29+$0x30];
	s26 =	sadd.s32 $0x80, s26  }
0x27: {  	s0 =	sadd.s32 $0x8, s0;
	v8 =	vld [tilespmem:s26+$0x30];
	[tilespmem:s28+$0x0] =	vst v6;
	v1 =	vmul.u32 v1, v3  }
0x28: {  	p0 =	slt.u32 s0, $0x48;
	v3 =	vld [tilespmem:s26+$0xFFFFFFC0]  }
0x29: {  	v6 =	vld [tilespmem:s29+$0xFFFFFFD0];
	[tilespmem:s28+$0x10] =	vst v1;
	v1 =	vmul.u32 v2, v5  }
0x2a: {  	v2 =	vld [tilespmem:s26+$0xFFFFFFD0];
	v9 =	vmul.u32 v4, v0  }
0x2b: {  	v4 =	vld [tilespmem:s29+$0xFFFFFFE0];
	[tilespmem:s28+$0x20] =	vst v1  }
0x2c: {  	v1 =	vld [tilespmem:s26+$0xFFFFFFE0];
	v5 =	vmul.u32 v7, v8;
	[tilespmem:s28+$0xFFFFFFC0] =	vst v9  }
0x2d: {  	s28 =	sadd.s32 $0x80, s28;
	v7 =	vld [tilespmem:s29+$0xFFFFFFF0];
	v0 =	vmov v3  }
0x2e: {  	v8 =	vld [tilespmem:s26+$0xFFFFFFF0];
	[tilespmem:s28+$0x30] =	vst v5  }
0x2f: {  	v2 =	vmul.u32 v6, v2;
	v6 =	vld [tilespmem:s29+$0x0]  }
0x30: {  	v9 =	vld [tilespmem:s26+$0x0]  }
.Ltmp0:
0x31: {  	[tilespmem:s28+$0xFFFFFFD0] =	vst v2;
	v2 =	vmul.u32 v4, v1;
	v1 =	vld [tilespmem:s29+$0x10];
	(pc) =	sbr.rel @p0 .LBB2_2-.Ltmp0, $4  }
0x32: {  	v3 =	vld [tilespmem:s26+$0x10]  }
0x33: {  	[tilespmem:s28+$0xFFFFFFE0] =	vst v2;
	v7 =	vmul.u32 v7, v8;
	v2 =	vld [tilespmem:s29+$0x20]  }
0x34: {  	v5 =	vld [tilespmem:s26+$0x20]  }
0x35: {  	v4 =	vld [tilespmem:s29+$0xFFFFFFC0];
	[tilespmem:s28+$0xFFFFFFF0] =	vst v7;
	v6 =	vmul.u32 v6, v9;
	s29 =	sadd.s32 $0x80, s29  }
0x36: {  	_ =	sdelay $0x1  }
0x37: {  	v1 =	vmul.u32 v1, v3  }
0x38: {  	[tilespmem:s28+$0x0] =	vst v6;
	v2 =	vmul.u32 v2, v5  }
0x39: {  	[tilespmem:s28+$0x10] =	vst v1;
	v0 =	vmul.u32 v4, v0  }
0x3a: {  	[tilespmem:s28+$0x20] =	vst v2  }
0x3b: {  	s26 =	simm.s32 $0x0;
	[tilespmem:s28+$0xFFFFFFC0] =	vst v0  }
0x3c: {  	[tilespmem:s17], [sflag:$0x1] =	stream.indirect.gather [hbm4b:s2+s16], $0x20, s26, s16, $0xb8;
	[tilespmem:$0x15400] =	vst v63  }
.LBB2_4:
0x3d: {  	p0 =	seq.s32 s26, $0x0;
	s29 =	smul.u32 $0xA00, s26  }
0x3e: {  	s0 =	simm.s32 @!p0 $0x4  }
0x3f: {  	_ =	swait.ge @!p0 [sflag:s0], $0xA000;
	s28 =	sadd.s32 s29, s10  }
0x40: {  	[sflag:s0] =	ssyncset.done @!p0 $0x0;
	s1 =	sshrl.u32 s28, $0x3  }
0x41: {  	[sflag:s0] =	ssyncadd.s32 @!p0 $0xFFFF6000;
	s0 =	sadd.s32 s5, s1  }
0x42: {  	[tilespmem:s13], [sflag:$0x5] =	stream.linear.gather [hbm4b:s0+s3], $0x500, $0x38;
	[tilespmem:$0x15400] =	vst v63  }
0x43: {  	_ =	swait.ge [sflag:s14], $0x500  }
0x44: {  	[sflag:s14] =	ssyncset.done $0x0  }
0x45: {  	s1 =	sadd.s32 s6, s1;
	[sflag:s14] =	ssyncadd.s32 $0xFFFFFB00  }
0x46: {  	[tilespmem:s15], [sflag:$0x5] =	stream.linear.gather [hbm4b:s1+s3], $0x500, $0x38;
	[tilespmem:$0x15400] =	vst v63  }
0x47: {  	_ =	swait.ge [sflag:s14], $0x500  }
0x48: {  	[sflag:s14] =	ssyncset.done $0x0  }
0x49: {  	s1 =	simm.s32 $0xA40;
	[sflag:s14] =	ssyncadd.s32 $0xFFFFFB00  }
0x4a: {  	s30 =	simm.s32 $0xF40;
	v1 =	vld [tilespmem:s1+$0x30]  }
0x4b: {  	v2 =	vld [tilespmem:s30+$0x30]  }
0x4c: {  	v0 =	vld [tilespmem:s30+$0xFFFFFFC0]  }
0x4d: {  	v3 =	vld [tilespmem:s1+$0xFFFFFFD0]  }
0x4e: {  	v4 =	vld [tilespmem:s30+$0xFFFFFFD0]  }
0x4f: {  	v5 =	vld [tilespmem:s1+$0xFFFFFFE0]  }
0x50: {  	v6 =	vld [tilespmem:s30+$0xFFFFFFE0]  }
0x51: {  	v7 =	vld [tilespmem:s1+$0xFFFFFFF0]  }
0x52: {  	v8 =	vld [tilespmem:s30+$0xFFFFFFF0]  }
0x53: {  	v9 =	vld [tilespmem:s1+$0x0]  }
0x54: {  	v10 =	vld [tilespmem:s30+$0x0];
	v2 =	vmul.u32 v1, v2  }
0x55: {  	s31 =	simm.s32 $0x570;
	v4 =	vmul.u32 v3, v4;
	v1 =	vld [tilespmem:s1+$0x10]  }
0x56: {  	v5 =	vmul.u32 v5, v6;
	v3 =	vld [tilespmem:s30+$0x10];
	[tilespmem:s31+$0x0] =	vst v2  }
0x57: {  	v6 =	vmul.u32 v7, v8;
	[tilespmem:s31+$0xFFFFFFA0] =	vst v4;
	v2 =	vld [tilespmem:s1+$0x20]  }
0x58: {  	[tilespmem:s31+$0xFFFFFFB0] =	vst v5;
	v5 =	vld [tilespmem:s30+$0x20]  }
0x59: {  	s0 =	simm.s32 $0x0;
	v4 =	vld [tilespmem:s1+$0xFFFFFFC0];
	[tilespmem:s31+$0xFFFFFFC0] =	vst v6;
	v6 =	vmul.u32 v9, v10;
	s1 =	simm.s32 $0xAC0  }
.LBB2_5:
0x5a: {  	v7 =	vld [tilespmem:s1+$0x30];
	s30 =	sadd.s32 $0x80, s30  }
0x5b: {  	s0 =	sadd.s32 $0x8, s0;
	v8 =	vld [tilespmem:s30+$0x30];
	[tilespmem:s31+$0xFFFFFFD0] =	vst v6;
	v1 =	vmul.u32 v1, v3  }
0x5c: {  	p0 =	slt.u32 s0, $0x48;
	v3 =	vld [tilespmem:s30+$0xFFFFFFC0]  }
0x5d: {  	v6 =	vld [tilespmem:s1+$0xFFFFFFD0];
	[tilespmem:s31+$0xFFFFFFE0] =	vst v1;
	v1 =	vmul.u32 v2, v5  }
0x5e: {  	v2 =	vld [tilespmem:s30+$0xFFFFFFD0];
	v9 =	vmul.u32 v4, v0  }
0x5f: {  	v4 =	vld [tilespmem:s1+$0xFFFFFFE0];
	[tilespmem:s31+$0xFFFFFFF0] =	vst v1  }
0x60: {  	v1 =	vld [tilespmem:s30+$0xFFFFFFE0];
	v5 =	vmul.u32 v7, v8;
	[tilespmem:s31+$0xFFFFFF90] =	vst v9  }
0x61: {  	s31 =	sadd.s32 $0x80, s31;
	v7 =	vld [tilespmem:s1+$0xFFFFFFF0];
	v0 =	vmov v3  }
0x62: {  	v8 =	vld [tilespmem:s30+$0xFFFFFFF0];
	[tilespmem:s31+$0x0] =	vst v5  }
0x63: {  	v2 =	vmul.u32 v6, v2;
	v6 =	vld [tilespmem:s1+$0x0]  }
0x64: {  	v9 =	vld [tilespmem:s30+$0x0]  }
.Ltmp1:
0x65: {  	[tilespmem:s31+$0xFFFFFFA0] =	vst v2;
	v2 =	vmul.u32 v4, v1;
	v1 =	vld [tilespmem:s1+$0x10];
	(pc) =	sbr.rel @p0 .LBB2_5-.Ltmp1, $4  }
0x66: {  	v3 =	vld [tilespmem:s30+$0x10]  }
0x67: {  	[tilespmem:s31+$0xFFFFFFB0] =	vst v2;
	v7 =	vmul.u32 v7, v8;
	v2 =	vld [tilespmem:s1+$0x20]  }
0x68: {  	v5 =	vld [tilespmem:s30+$0x20]  }
0x69: {  	v4 =	vld [tilespmem:s1+$0xFFFFFFC0];
	[tilespmem:s31+$0xFFFFFFC0] =	vst v7;
	v6 =	vmul.u32 v6, v9;
	s1 =	sadd.s32 $0x80, s1  }
0x6a: {  	_ =	sdelay $0x1  }
0x6b: {  	v1 =	vmul.u32 v1, v3  }
0x6c: {  	[tilespmem:s31+$0xFFFFFFD0] =	vst v6;
	v2 =	vmul.u32 v2, v5  }
0x6d: {  	[tilespmem:s31+$0xFFFFFFE0] =	vst v1;
	v0 =	vmul.u32 v4, v0  }
0x6e: {  	[tilespmem:s31+$0xFFFFFFF0] =	vst v2  }
0x6f: {  	[tilespmem:s31+$0xFFFFFF90] =	vst v0  }
0x70: {  	[tilespmem:s18], [sflag:$0x2] =	stream.indirect.gather [hbm4b:s2+s16], $0x20, s16, s16, $0xb8;
	[tilespmem:$0x15400] =	vst v63  }
0x71: {  	_ =	swait.ge [sflag:s19], $0xA000  }
0x72: {  	[sflag:s19] =	ssyncset.done $0x0  }
0x73: {  	s30 =	simm.s32 $0x1480;
	[sflag:s19] =	ssyncadd.s32 $0xFFFF6000  }
0x74: {  	v0 =	vld [tilespmem:s30+$0x70]  }
0x75: {  	v1 =	vld [tilespmem:s30+$0xFFFFFF90]  }
0x76: {  	v2 =	vld [tilespmem:s30+$0xFFFFFFA0]  }
0x77: {  	v3 =	vld [tilespmem:s30+$0xFFFFFFB0]  }
0x78: {  	v4 =	vld [tilespmem:s30+$0xFFFFFFC0]  }
0x79: {  	v5 =	vld [tilespmem:s30+$0xFFFFFFD0];
	v0 =	vmax.f32 v0, $0.0e+00  }
0x7a: {  	v6 =	vld [tilespmem:s30+$0xFFFFFFE0];
	v1 =	vmax.f32 v1, $0.0e+00;
	[tilespmem:s30+$0x70] =	vst v0  }
0x7b: {  	[tilespmem:s30+$0xFFFFFF90] =	vst v1;
	v0 =	vmax.f32 v2, $0.0e+00;
	v1 =	vld [tilespmem:s30+$0xFFFFFFF0]  }
0x7c: {  	v2 =	vld [tilespmem:s30+$0x0];
	[tilespmem:s30+$0xFFFFFFA0] =	vst v0;
	v0 =	vmax.f32 v3, $0.0e+00  }
0x7d: {  	v3 =	vld [tilespmem:s30+$0x10];
	[tilespmem:s30+$0xFFFFFFB0] =	vst v0;
	v0 =	vmax.f32 v4, $0.0e+00  }
0x7e: {  	[tilespmem:s30+$0xFFFFFFC0] =	vst v0;
	v0 =	vmax.f32 v5, $0.0e+00;
	v5 =	vld [tilespmem:s30+$0x20]  }
0x7f: {  	v4 =	vmax.f32 v6, $0.0e+00;
	[tilespmem:s30+$0xFFFFFFD0] =	vst v0;
	v0 =	vld [tilespmem:s30+$0x30]  }
0x80: {  	[tilespmem:s30+$0xFFFFFFE0] =	vst v4;
	v4 =	vmax.f32 v1, $0.0e+00;
	v1 =	vld [tilespmem:s30+$0x40]  }
0x81: {  	[tilespmem:s30+$0xFFFFFFF0] =	vst v4;
	v4 =	vmax.f32 v2, $0.0e+00;
	v2 =	vld [tilespmem:s30+$0x50]  }
0x82: {  	v6 =	vmax.f32 v3, $0.0e+00;
	[tilespmem:s30+$0x0] =	vst v4;
	v4 =	vld [tilespmem:s30+$0x60]  }
0x83: {  	s0 =	simm.s32 $0x1580;
	s31 =	simm.s32 $0x0;
	v3 =	vld [tilespmem:s30+$0xFFFFFF80];
	[tilespmem:s30+$0x10] =	vst v6;
	v5 =	vmax.f32 v5, $0.0e+00  }
.LBB2_7:
0x84: {  	v6 =	vld [tilespmem:s0+$0x70];
	s31 =	sadd.s32 $0x8, s31;
	[tilespmem:s30+$0x20] =	vst v5;
	v0 =	vmax.f32 v0, $0.0e+00  }
0x85: {  	v5 =	vld [tilespmem:s0+$0xFFFFFF90];
	p0 =	slt.u32 s31, $0x4F8;
	[tilespmem:s30+$0x30] =	vst v0;
	v0 =	vmax.f32 v1, $0.0e+00  }
0x86: {  	v1 =	vld [tilespmem:s0+$0xFFFFFFA0];
	[tilespmem:s30+$0x40] =	vst v0;
	v0 =	vmax.f32 v2, $0.0e+00  }
0x87: {  	v2 =	vld [tilespmem:s0+$0xFFFFFFB0];
	[tilespmem:s30+$0x50] =	vst v0;
	v0 =	vmax.f32 v4, $0.0e+00  }
0x88: {  	v4 =	vld [tilespmem:s0+$0xFFFFFFC0];
	v3 =	vmax.f32 v3, $0.0e+00;
	[tilespmem:s30+$0x60] =	vst v0  }
0x89: {  	v0 =	vld [tilespmem:s0+$0xFFFFFFD0];
	v6 =	vmax.f32 v6, $0.0e+00;
	[tilespmem:s30+$0xFFFFFF80] =	vst v3;
	s30 =	smov.u32 s0  }
0x8a: {  	v3 =	vmax.f32 v5, $0.0e+00;
	v5 =	vld [tilespmem:s0+$0xFFFFFFE0];
	[tilespmem:s0+$0x70] =	vst v6  }
0x8b: {  	[tilespmem:s0+$0xFFFFFF90] =	vst v3;
	v1 =	vmax.f32 v1, $0.0e+00;
	v3 =	vld [tilespmem:s0+$0xFFFFFFF0]  }
0x8c: {  	[tilespmem:s0+$0xFFFFFFA0] =	vst v1;
	v1 =	vmax.f32 v2, $0.0e+00;
	v2 =	vld [tilespmem:s0+$0x0]  }
0x8d: {  	[tilespmem:s0+$0xFFFFFFB0] =	vst v1;
	v1 =	vmax.f32 v4, $0.0e+00;
	v4 =	vld [tilespmem:s0+$0x10]  }
0x8e: {  	[tilespmem:s0+$0xFFFFFFC0] =	vst v1;
	v0 =	vmax.f32 v0, $0.0e+00;
	v6 =	vld [tilespmem:s0+$0x20]  }
.Ltmp2:
0x8f: {  	[tilespmem:s0+$0xFFFFFFD0] =	vst v0;
	v1 =	vmax.f32 v5, $0.0e+00;
	v0 =	vld [tilespmem:s0+$0x30];
	(pc) =	sbr.rel @p0 .LBB2_7-.Ltmp2, $4  }
0x90: {  	[tilespmem:s0+$0xFFFFFFE0] =	vst v1;
	v3 =	vmax.f32 v3, $0.0e+00;
	v1 =	vld [tilespmem:s0+$0x40]  }
0x91: {  	[tilespmem:s0+$0xFFFFFFF0] =	vst v3;
	v3 =	vmax.f32 v2, $0.0e+00;
	v2 =	vld [tilespmem:s0+$0x50]  }
0x92: {  	[tilespmem:s0+$0x0] =	vst v3;
	v5 =	vmax.f32 v4, $0.0e+00;
	v4 =	vld [tilespmem:s0+$0x60]  }
0x93: {  	s0 =	sadd.s32 $0x100, s0;
	v3 =	vld [tilespmem:s30+$0xFFFFFF80];
	[tilespmem:s30+$0x10] =	vst v5;
	v5 =	vmax.f32 v6, $0.0e+00  }
0x94: {  	[tilespmem:s30+$0x20] =	vst v5;
	v0 =	vmax.f32 v0, $0.0e+00  }
0x95: {  	p0 =	seq.s32 s26, $0x27;
	[tilespmem:s30+$0x30] =	vst v0;
	v60 =	vmax.f32 v1, $0.0e+00  }
.Ltmp3:
0x96: {  	[tilespmem:s30+$0x40] =	vst v60;
	v61 =	vmax.f32 v2, $0.0e+00;
	(pc) =	sbr.rel @p0 .LBB2_12-.Ltmp3, $4  }
0x97: {  	s0 =	sadd.s32 s4, s29;
	[tilespmem:s30+$0x50] =	vst v61;
	v62 =	vmax.f32 v4, $0.0e+00  }
0x98: {  	s0 =	sshll.u32 s0, $0x4;
	v63 =	vmax.f32 v3, $0.0e+00;
	[tilespmem:s30+$0x60] =	vst v62  }
0x99: {  	s0 =	sadd.s32 s7, s0;
	[tilespmem:s30+$0xFFFFFF80] =	vst v63  }
0x9a: {  	[hbm4b:s0+s20] =	stream.strided.scatter [tilespmem:s17], [sflag:$0x3], $0xA000, s21, s20, $0x38;
	[tilespmem:$0x15400] =	vst v63  }
0x9b: {  	_ =	swait.ge [sflag:s23], $0xA000;
	s0 =	sadd.s32 s29, s11  }
0x9c: {  	[sflag:s23] =	ssyncset.done $0x0;
	s0 =	sshrl.u32 s0, $0x3  }
0x9d: {  	[sflag:s23] =	ssyncadd.s32 $0xFFFF6000;
	s1 =	sadd.s32 s5, s0  }
0x9e: {  	[tilespmem:s13], [sflag:$0x5] =	stream.linear.gather [hbm4b:s1+s3], $0x500, $0x38;
	[tilespmem:$0x15400] =	vst v63  }
0x9f: {  	_ =	swait.ge [sflag:s14], $0x500  }
0xa0: {  	[sflag:s14] =	ssyncset.done $0x0  }
0xa1: {  	s0 =	sadd.s32 s6, s0;
	[sflag:s14] =	ssyncadd.s32 $0xFFFFFB00  }
0xa2: {  	[tilespmem:s15], [sflag:$0x5] =	stream.linear.gather [hbm4b:s0+s3], $0x500, $0x38;
	[tilespmem:$0x15400] =	vst v63  }
0xa3: {  	_ =	swait.ge [sflag:s14], $0x500  }
0xa4: {  	[sflag:s14] =	ssyncset.done $0x0  }
0xa5: {  	s31 =	simm.s32 $0xA40;
	[sflag:s14] =	ssyncadd.s32 $0xFFFFFB00  }
0xa6: {  	s29 =	simm.s32 $0xF40;
	v1 =	vld [tilespmem:s31+$0x30]  }
0xa7: {  	v2 =	vld [tilespmem:s29+$0x30]  }
0xa8: {  	v0 =	vld [tilespmem:s29+$0xFFFFFFC0]  }
0xa9: {  	v3 =	vld [tilespmem:s31+$0xFFFFFFD0]  }
0xaa: {  	v4 =	vld [tilespmem:s29+$0xFFFFFFD0]  }
0xab: {  	v5 =	vld [tilespmem:s31+$0xFFFFFFE0]  }
0xac: {  	v6 =	vld [tilespmem:s29+$0xFFFFFFE0]  }
0xad: {  	v7 =	vld [tilespmem:s31+$0xFFFFFFF0]  }
0xae: {  	v8 =	vld [tilespmem:s29+$0xFFFFFFF0]  }
0xaf: {  	v9 =	vld [tilespmem:s31+$0x0]  }
0xb0: {  	v10 =	vld [tilespmem:s29+$0x0];
	v2 =	vmul.u32 v1, v2  }
0xb1: {  	s30 =	simm.s32 $0x40;
	v4 =	vmul.u32 v3, v4;
	v1 =	vld [tilespmem:s31+$0x10]  }
0xb2: {  	v5 =	vmul.u32 v5, v6;
	v3 =	vld [tilespmem:s29+$0x10];
	[tilespmem:s30+$0x30] =	vst v2  }
0xb3: {  	v6 =	vmul.u32 v7, v8;
	[tilespmem:s30+$0xFFFFFFD0] =	vst v4;
	v2 =	vld [tilespmem:s31+$0x20]  }
0xb4: {  	[tilespmem:s30+$0xFFFFFFE0] =	vst v5;
	v5 =	vld [tilespmem:s29+$0x20]  }
0xb5: {  	s1 =	simm.s32 $0xAC0;
	s0 =	simm.s32 $0x0;
	v4 =	vld [tilespmem:s31+$0xFFFFFFC0];
	[tilespmem:s30+$0xFFFFFFF0] =	vst v6;
	v6 =	vmul.u32 v9, v10  }
.LBB2_10:
0xb6: {  	v7 =	vld [tilespmem:s1+$0x30];
	s29 =	sadd.s32 $0x80, s29  }
0xb7: {  	s0 =	sadd.s32 $0x8, s0;
	v8 =	vld [tilespmem:s29+$0x30];
	[tilespmem:s30+$0x0] =	vst v6;
	v1 =	vmul.u32 v1, v3  }
0xb8: {  	p0 =	slt.u32 s0, $0x48;
	v3 =	vld [tilespmem:s29+$0xFFFFFFC0]  }
0xb9: {  	v6 =	vld [tilespmem:s1+$0xFFFFFFD0];
	[tilespmem:s30+$0x10] =	vst v1;
	v1 =	vmul.u32 v2, v5  }
0xba: {  	v2 =	vld [tilespmem:s29+$0xFFFFFFD0];
	v9 =	vmul.u32 v4, v0  }
0xbb: {  	v4 =	vld [tilespmem:s1+$0xFFFFFFE0];
	[tilespmem:s30+$0x20] =	vst v1  }
0xbc: {  	v1 =	vld [tilespmem:s29+$0xFFFFFFE0];
	v5 =	vmul.u32 v7, v8;
	[tilespmem:s30+$0xFFFFFFC0] =	vst v9  }
0xbd: {  	s30 =	sadd.s32 $0x80, s30;
	v7 =	vld [tilespmem:s1+$0xFFFFFFF0];
	v0 =	vmov v3  }
0xbe: {  	v8 =	vld [tilespmem:s29+$0xFFFFFFF0];
	[tilespmem:s30+$0x30] =	vst v5  }
0xbf: {  	v2 =	vmul.u32 v6, v2;
	v6 =	vld [tilespmem:s1+$0x0]  }
0xc0: {  	v9 =	vld [tilespmem:s29+$0x0]  }
.Ltmp4:
0xc1: {  	[tilespmem:s30+$0xFFFFFFD0] =	vst v2;
	v2 =	vmul.u32 v4, v1;
	v1 =	vld [tilespmem:s1+$0x10];
	(pc) =	sbr.rel @p0 .LBB2_10-.Ltmp4, $4  }
0xc2: {  	v3 =	vld [tilespmem:s29+$0x10]  }
0xc3: {  	[tilespmem:s30+$0xFFFFFFE0] =	vst v2;
	v7 =	vmul.u32 v7, v8;
	v2 =	vld [tilespmem:s1+$0x20]  }
0xc4: {  	v5 =	vld [tilespmem:s29+$0x20]  }
0xc5: {  	v4 =	vld [tilespmem:s1+$0xFFFFFFC0];
	[tilespmem:s30+$0xFFFFFFF0] =	vst v7;
	v6 =	vmul.u32 v6, v9;
	s1 =	sadd.s32 $0x80, s1  }
0xc6: {  	_ =	sdelay $0x1  }
0xc7: {  	v1 =	vmul.u32 v1, v3  }
0xc8: {  	[tilespmem:s30+$0x0] =	vst v6;
	v2 =	vmul.u32 v2, v5  }
0xc9: {  	[tilespmem:s30+$0x10] =	vst v1;
	v0 =	vmul.u32 v4, v0  }
0xca: {  	[tilespmem:s30+$0x20] =	vst v2  }
0xcb: {  	[tilespmem:s30+$0xFFFFFFC0] =	vst v0  }
0xcc: {  	[tilespmem:s17], [sflag:$0x1] =	stream.indirect.gather [hbm4b:s2+s16], $0x20, s3, s16, $0xb8;
	[tilespmem:$0x15400] =	vst v63  }
.LBB2_12:
0xcd: {  	_ =	swait.ge [sflag:s22], $0xA000  }
0xce: {  	[sflag:s22] =	ssyncset.done $0x0  }
0xcf: {  	s29 =	simm.s32 $0xB400;
	[sflag:s22] =	ssyncadd.s32 $0xFFFF6000  }
0xd0: {  	v0 =	vld [tilespmem:s29+$0xF0]  }
0xd1: {  	v1 =	vld [tilespmem:s29+$0x10]  }
0xd2: {  	v2 =	vld [tilespmem:s29+$0x20]  }
0xd3: {  	v3 =	vld [tilespmem:s29+$0x30]  }
0xd4: {  	v4 =	vld [tilespmem:s29+$0x40]  }
0xd5: {  	v5 =	vld [tilespmem:s29+$0x50];
	v0 =	vmax.f32 v0, $0.0e+00  }
0xd6: {  	v6 =	vld [tilespmem:s29+$0x60];
	v1 =	vmax.f32 v1, $0.0e+00;
	[tilespmem:s29+$0xF0] =	vst v0  }
0xd7: {  	[tilespmem:s29+$0x10] =	vst v1;
	v0 =	vmax.f32 v2, $0.0e+00;
	v1 =	vld [tilespmem:s29+$0x70]  }
0xd8: {  	v2 =	vld [tilespmem:s29+$0x80];
	[tilespmem:s29+$0x20] =	vst v0;
	v0 =	vmax.f32 v3, $0.0e+00  }
0xd9: {  	v3 =	vld [tilespmem:s29+$0x90];
	[tilespmem:s29+$0x30] =	vst v0;
	v0 =	vmax.f32 v4, $0.0e+00  }
0xda: {  	[tilespmem:s29+$0x40] =	vst v0;
	v0 =	vmax.f32 v5, $0.0e+00;
	v5 =	vld [tilespmem:s29+$0xA0]  }
0xdb: {  	v4 =	vmax.f32 v6, $0.0e+00;
	[tilespmem:s29+$0x50] =	vst v0;
	v0 =	vld [tilespmem:s29+$0xB0]  }
0xdc: {  	[tilespmem:s29+$0x60] =	vst v4;
	v4 =	vmax.f32 v1, $0.0e+00;
	v1 =	vld [tilespmem:s29+$0xC0]  }
0xdd: {  	[tilespmem:s29+$0x70] =	vst v4;
	v4 =	vmax.f32 v2, $0.0e+00;
	v2 =	vld [tilespmem:s29+$0xD0]  }
0xde: {  	v6 =	vmax.f32 v3, $0.0e+00;
	[tilespmem:s29+$0x80] =	vst v4;
	v4 =	vld [tilespmem:s29+$0xE0]  }
0xdf: {  	s30 =	simm.s32 $0x0;
	s0 =	simm.s32 $0xB500;
	v3 =	vld [tilespmem:s29+$0x0];
	[tilespmem:s29+$0x90] =	vst v6;
	v5 =	vmax.f32 v5, $0.0e+00  }
.LBB2_13:
0xe0: {  	v6 =	vld [tilespmem:s0+$0xF0];
	s30 =	sadd.s32 $0x8, s30;
	[tilespmem:s29+$0xA0] =	vst v5;
	v0 =	vmax.f32 v0, $0.0e+00  }
0xe1: {  	v5 =	vld [tilespmem:s0+$0x10];
	p0 =	slt.u32 s30, $0x4F8;
	[tilespmem:s29+$0xB0] =	vst v0;
	v0 =	vmax.f32 v1, $0.0e+00  }
0xe2: {  	v1 =	vld [tilespmem:s0+$0x20];
	[tilespmem:s29+$0xC0] =	vst v0;
	v0 =	vmax.f32 v2, $0.0e+00  }
0xe3: {  	v2 =	vld [tilespmem:s0+$0x30];
	[tilespmem:s29+$0xD0] =	vst v0;
	v0 =	vmax.f32 v4, $0.0e+00  }
0xe4: {  	v4 =	vld [tilespmem:s0+$0x40];
	v3 =	vmax.f32 v3, $0.0e+00;
	[tilespmem:s29+$0xE0] =	vst v0  }
0xe5: {  	v0 =	vld [tilespmem:s0+$0x50];
	v6 =	vmax.f32 v6, $0.0e+00;
	[tilespmem:s29+$0x0] =	vst v3;
	s29 =	smov.u32 s0  }
0xe6: {  	v3 =	vmax.f32 v5, $0.0e+00;
	v5 =	vld [tilespmem:s0+$0x60];
	[tilespmem:s0+$0xF0] =	vst v6  }
0xe7: {  	[tilespmem:s0+$0x10] =	vst v3;
	v1 =	vmax.f32 v1, $0.0e+00;
	v3 =	vld [tilespmem:s0+$0x70]  }
0xe8: {  	[tilespmem:s0+$0x20] =	vst v1;
	v1 =	vmax.f32 v2, $0.0e+00;
	v2 =	vld [tilespmem:s0+$0x80]  }
0xe9: {  	[tilespmem:s0+$0x30] =	vst v1;
	v1 =	vmax.f32 v4, $0.0e+00;
	v4 =	vld [tilespmem:s0+$0x90]  }
0xea: {  	[tilespmem:s0+$0x40] =	vst v1;
	v0 =	vmax.f32 v0, $0.0e+00;
	v6 =	vld [tilespmem:s0+$0xA0]  }
.Ltmp5:
0xeb: {  	[tilespmem:s0+$0x50] =	vst v0;
	v1 =	vmax.f32 v5, $0.0e+00;
	v0 =	vld [tilespmem:s0+$0xB0];
	(pc) =	sbr.rel @p0 .LBB2_13-.Ltmp5, $4  }
0xec: {  	[tilespmem:s0+$0x60] =	vst v1;
	v3 =	vmax.f32 v3, $0.0e+00;
	v1 =	vld [tilespmem:s0+$0xC0]  }
0xed: {  	[tilespmem:s0+$0x70] =	vst v3;
	v3 =	vmax.f32 v2, $0.0e+00;
	v2 =	vld [tilespmem:s0+$0xD0]  }
0xee: {  	[tilespmem:s0+$0x80] =	vst v3;
	v5 =	vmax.f32 v4, $0.0e+00;
	v4 =	vld [tilespmem:s0+$0xE0]  }
0xef: {  	s0 =	sadd.s32 $0x100, s0;
	v3 =	vld [tilespmem:s29+$0x0];
	[tilespmem:s29+$0x90] =	vst v5;
	v5 =	vmax.f32 v6, $0.0e+00  }
0xf0: {  	[tilespmem:s29+$0xA0] =	vst v5;
	v0 =	vmax.f32 v0, $0.0e+00;
	s26 =	sadd.s32 $0x1, s26  }
0xf1: {  	[tilespmem:s29+$0xB0] =	vst v0;
	v60 =	vmax.f32 v1, $0.0e+00;
	p0 =	sne.s32 s26, $0x28  }
.Ltmp6:
0xf2: {  	[tilespmem:s29+$0xC0] =	vst v60;
	v61 =	vmax.f32 v2, $0.0e+00;
	(pc) =	sbr.rel @p0 .LBB2_4-.Ltmp6, $4  }
0xf3: {  	s0 =	sshll.u32 s28, $0x4;
	[tilespmem:s29+$0xD0] =	vst v61;
	v62 =	vmax.f32 v4, $0.0e+00  }
0xf4: {  	s0 =	sand.u32 $0x1FFFF000, s0;
	v63 =	vmax.f32 v3, $0.0e+00;
	[tilespmem:s29+$0xE0] =	vst v62  }
0xf5: {  	s0 =	sadd.s32 s7, s0;
	[tilespmem:s29+$0x0] =	vst v63  }
0xf6: {  	[hbm4b:s0+s20] =	stream.strided.scatter [tilespmem:s18], [sflag:$0x4], $0xA000, s21, s20, $0x38;
	[tilespmem:$0x15400] =	vst v63  }
0xf7: {  	s25 =	sadd.s32 $0x1, s25  }
0xf8: {  	_ =	swait.ge [sflag:s23], $0xA000;
	p0 =	sne.s32 s25, s12  }
.Ltmp7:
0xf9: {  	[sflag:s23] =	ssyncset.done $0x0;
	(pc) =	sbr.rel @p0 .LBB2_1-.Ltmp7, $4  }
0xfa: {  	[sflag:s23] =	ssyncadd.s32 $0xFFFF6000  }
0xfb: {  	_ =	swait.ge [sflag:s24], $0xA000  }
0xfc: {  	[sflag:s24] =	ssyncset.done $0x0  }
0xfd: {  	[sflag:s24] =	ssyncadd.s32 $0xFFFF6000  }
0xfe: {  	_ =	sfence.sel $0x180000  }
0xff: {  	[bflag:$0x0] =	sbarrier.arrive $0xFFFF  }
0x100: {  	_ =	strace $0x90000047  }
0x101: {  	s0 =	stileid.u32;
	[bflag:$0x2] =	sbarrier.arrive $0xFFFF  }
0x102: {  	p0 =	sne.s32 s0, $0x0;
	s0 =	rddreg [dreg:$0x2]  }
0x103: {  	s0 =	sadd.s32 @!p0 $0x100000, s0  }
0x104: {  	[sflag:s0] =	ssyncadd.tile.s32 @!p0 $0x1;
	_ =	shalt  }
.Lfunc_end2:
_tile_overlayer_lowered:
.L_overlay_start_2:
0x105: {  	(tag) =	ssettag $0x2  }
0x106: {  	s0 =	rddreg [dreg:$0x0];
	s2 =	stileid.u32  }
0x107: {  	s1 =	rddreg [dreg:$0x1];
	p0 =	sne.s32 s2, $0x0  }
0x108: {  	s3 =	rddreg [dreg:$0x2];
	[bflag:$0x3] =	sbarrier.arrive $0xFFFF;
	s2 =	simm.s32 @!p0 $0x1C05  }
0x109: {  	[timem:s3], [sflag:s2] =	dma.local @!p0 [hbm:s0], s1  }
0x10a: {  	s0 =	simm.s32 @!p0 $0x5  }
0x10b: {  	_ =	swait.ge @!p0 [sflag:s0], s1  }
0x10c: {  	s1 =	ssub.s32 @!p0 $0x0, s1;
	[sflag:s0] =	ssyncset.done @!p0 $0x0  }
0x10d: {  	[sflag:s0] =	ssyncadd.s32 @!p0 s1  }
0x10e: {  	[bflag:$0x3] =	sbarrier.arrive $0xFFFF  }
0x10f: {  	_ =	shalt  }

// kernel: kernel.7.cloned.1.call-start
scs
__scs_entry_jumppad:
0x0: {  	(pc) =	sbr.rel $0x88, $3  }
0x1: {  	(tag) =	ssettag $0x0;
	lr =	simm.s32 $0x1  }
0x2: {  	[smem:$0x3F9C] =	sst lr;
	_ =	strace $0xD0000000  }
0x3: {  	_ = 	snop  }
0x4: {  	_ = 	snop  }
0x5: {  	_ = 	snop  }
0x6: {  	_ = 	snop  }
0x7: {  	_ = 	snop  }
__scs_overlays_trampoline_lowered:
0x8: {  	[smem:$0x3FAB] =	sst s0  }
0x9: {  	[smem:$0x3FAC] =	sst s1  }
0xa: {  	[smem:$0x3FAD] =	sst s2  }
0xb: {  	[smem:$0x3FAE] =	sst s3  }
0xc: {  	[smem:$0x3FAF] =	sst s4  }
0xd: {  	[smem:$0x3FB0] =	sst s5  }
0xe: {  	[smem:$0x3FB1] =	sst s6  }
0xf: {  	[smem:$0x3FB2] =	sst s7  }
0x10: {  	[smem:$0x3FB3] =	sst s8  }
0x11: {  	[smem:$0x3FB4] =	sst s9;
	s0 =	simm.s32 @!p0 $0x0  }
0x12: {  	s1 =	sld [smem:$0x3F9A];
	s0 =	simm.s32 @p0 $0x1  }
0x13: {  	[smem:$0x3FB5] =	sst s0;
	s0 =	simm.s32 @!p1 $0x0  }
0x14: {  	s2 =	sld [smem:$0x3F99];
	s0 =	simm.s32 @p1 $0x1  }
0x15: {  	[smem:$0x3FB6] =	sst s0;
	s0 =	simm.s32 @!p2 $0x0  }
0x16: {  	s3 =	sld [smem:$0x3FDB];
	s0 =	simm.s32 @p2 $0x1  }
0x17: {  	s4 =	simm.s32 $0x1BF5;
	[smem:$0x3FB8] =	sst s0  }
0x18: {  	s0 =	sld [smem:$0x3F9B];
	_ =	swait.ge [sflag:s4], $0x0  }
0x19: {  	s7 =	sld [smem:$0x3F9C]  }
0x1a: {  	s8 =	sadd.s32 $0xFFFFE003, lr  }
0x1b: {  	s9 =	sadd.s32 $0xFFFFFEF7, lr;
	s5 =	simm.s32 $0xFFFFFFFF;
	p2 =	slt.u32 s8, $0xFFFFF086  }
0x1c: {  	p1 =	slt.u32 s9, $0xF7A;
	s5 =	simm.s32 @!p2 $0x0  }
0x1d: {  	s5 =	simm.s32 @p1 $0x1;
	p0 =	seq.s32 s7, s2  }
0x1e: {  	s7 =	smul.u32 @!p0 $0xF7A, s2;
	p2 =	seq.s32 @!p0 s5, $0x0  }
0x1f: {  	s9 =	smul.u32 $0xF7A, s1;
	s8 =	simm.s32 @!p0 $0x1BF5;
	p2 =	por !p2, p0  }
0x20: {  	[sflag:s8] =	ssyncset.s32 @!p0 $0xFFFFF086;
	s6 =	sadd.s32 @!p0 s3, s7;
	s7 =	simm.s32 @!p0 $0x108  }
0x21: {  	s3 =	sadd.s32 s3, s9;
	s6 =	sadd.s32 @!p0 $0x88, s6;
	s7 =	simm.s32 @p2 $0x1082  }
0x22: {  	[simem:s7], [sflag:s8] =	dma.local @!p0 [hbm:s6], $0xF7A  }
0x23: {  	s9 =	sor.u32 $0xD0000000, s2;
	s6 =	simm.s32 $0x108;
	_ =	swait.ge @!p0 [sflag:s8], $0x0  }
0x24: {  	s3 =	sadd.s32 $0x88, s3;
	s6 =	simm.s32 @!p1 $0x1082;
	[sflag:s4] =	ssyncset.s32 $0xFFFFF086  }
0x25: {  	[simem:s6], [sflag:s4] =	dma.local [hbm:s3], $0xF7A  }
0x26: {  	[smem:$0x3F9C] =	sst s1;
	(tag) =	ssettag s2;
	_ =	strace s9  }
0x27: {  	s1 =	sld [smem:$0x3FAC]  }
0x28: {  	s2 =	sld [smem:$0x3FAD]  }
0x29: {  	s4 =	sld [smem:$0x3FAF]  }
0x2a: {  	p0 =	seq.s32 s5, $0x0;
	s5 =	sld [smem:$0x3FB0]  }
0x2b: {  	s6 =	sld [smem:$0x3FB1]  }
0x2c: {  	s7 =	sld [smem:$0x3FB2]  }
0x2d: {  	s3 =	simm.s32 $0x108;
	s8 =	sld [smem:$0x3FB3]  }
0x2e: {  	s3 =	simm.s32 @!p0 $0x1082;
	s9 =	sld [smem:$0x3FB4]  }
0x2f: {  	lr =	sadd.s32 s0, s3;
	s0 =	sld [smem:$0x3FAB]  }
0x30: {  	s3 =	sld [smem:$0x3FAE]  }
0x31: {  	[smem:$0x3FB7] =	sst s10  }
0x32: {  	s10 =	sld [smem:$0x3FB5];
	_ =	sdelay $0x3  }
0x33: {  	p0 =	seq.s32 s10, $0x1;
	s10 =	sld [smem:$0x3FB7];
	_ =	sdelay $0x3  }
0x34: {  	[smem:$0x3FB7] =	sst s10  }
0x35: {  	s10 =	sld [smem:$0x3FB6];
	_ =	sdelay $0x3  }
0x36: {  	p1 =	seq.s32 s10, $0x1;
	s10 =	sld [smem:$0x3FB7];
	_ =	sdelay $0x3  }
0x37: {  	[smem:$0x3FB7] =	sst s10  }
0x38: {  	s10 =	sld [smem:$0x3FB8]  }
0x39: {  	_ = 	snop;
	(pc) =	sbr.ind lr, $3  }
0x3a: {  	_ = 	snop  }
0x3b: {  	_ = 	snop  }
0x3c: {  	p2 =	seq.s32 s10, $0x1;
	s10 =	sld [smem:$0x3FB7]  }
0x3d: {  	_ =	shalt  }
0x3e: {  	_ =	shalt  }
0x3f: {  	_ =	shalt  }
0x40: {  	_ =	shalt  }
0x41: {  	_ =	shalt  }
0x42: {  	_ =	shalt  }
0x43: {  	_ =	shalt  }
0x44: {  	_ =	shalt  }
0x45: {  	_ =	shalt  }
0x46: {  	_ =	shalt  }
0x47: {  	_ =	shalt  }
0x48: {  	_ =	shalt  }
0x49: {  	_ =	shalt  }
0x4a: {  	_ =	shalt  }
0x4b: {  	_ =	shalt  }
0x4c: {  	_ =	shalt  }
0x4d: {  	_ =	shalt  }
0x4e: {  	_ =	shalt  }
0x4f: {  	_ =	shalt  }
0x50: {  	_ =	shalt  }
0x51: {  	_ =	shalt  }
0x52: {  	_ =	shalt  }
0x53: {  	_ =	shalt  }
0x54: {  	_ =	shalt  }
0x55: {  	_ =	shalt  }
0x56: {  	_ =	shalt  }
0x57: {  	_ =	shalt  }
0x58: {  	_ =	shalt  }
0x59: {  	_ =	shalt  }
0x5a: {  	_ =	shalt  }
0x5b: {  	_ =	shalt  }
0x5c: {  	_ =	shalt  }
0x5d: {  	_ =	shalt  }
0x5e: {  	_ =	shalt  }
0x5f: {  	_ =	shalt  }
0x60: {  	_ =	shalt  }
0x61: {  	_ =	shalt  }
0x62: {  	_ =	shalt  }
0x63: {  	_ =	shalt  }
0x64: {  	_ =	shalt  }
0x65: {  	_ =	shalt  }
0x66: {  	_ =	shalt  }
0x67: {  	_ =	shalt  }
0x68: {  	_ =	shalt  }
0x69: {  	_ =	shalt  }
0x6a: {  	_ =	shalt  }
0x6b: {  	_ =	shalt  }
0x6c: {  	_ =	shalt  }
0x6d: {  	_ =	shalt  }
0x6e: {  	_ =	shalt  }
0x6f: {  	_ =	shalt  }
0x70: {  	_ =	shalt  }
0x71: {  	_ =	shalt  }
0x72: {  	_ =	shalt  }
0x73: {  	_ =	shalt  }
0x74: {  	_ =	shalt  }
0x75: {  	_ =	shalt  }
0x76: {  	_ =	shalt  }
0x77: {  	_ =	shalt  }
0x78: {  	_ =	shalt  }
0x79: {  	_ =	shalt  }
0x7a: {  	_ =	shalt  }
0x7b: {  	_ =	shalt  }
0x7c: {  	_ =	shalt  }
0x7d: {  	_ =	shalt  }
0x7e: {  	_ =	shalt  }
0x7f: {  	_ =	shalt  }
0x80: {  	_ =	shalt  }
0x81: {  	_ =	shalt  }
0x82: {  	_ =	shalt  }
0x83: {  	_ =	shalt  }
0x84: {  	_ =	shalt  }
0x85: {  	_ =	shalt  }
0x86: {  	_ =	shalt  }
0x87: {  	_ =	shalt  }
.Lfunc_end0:
.L_simem_size_0:
called_computation.3_lowered:
.L_overlay_start_0:
0x88: {  	s2 =	sld [smem:$0x3FD9]  }
0x89: {  	s3 =	sld [smem:$0x3FFE];
	_ =	sdelay $0x1  }
0x8a: {  	s1 =	srdreg.scid  }
0x8b: {  	s0 =	sand.u32 $0x1, s1  }
0x8c: {  	s17 =	sshll.u32 s0, $0xA;
	s2 =	sadd.s32 s3, s2  }
0x8d: {  	s2 =	sadd.s32 s2, s17  }
0x8e: {  	[smem:$0x3FC3] =	sst s2  }
0x8f: {  	_ = 	snop  }
0x90: {  	(tm) =	ssettm $0x1  }
0x91: {  	s18 =	sld [smem:$0x3FFB];
	_ =	sdelay $0x3  }
0x92: {  	_ =	strace s18  }
0x93: {  	s2 =	sld [smem:$0x3FFC];
	_ =	sdelay $0x3  }
0x94: {  	_ =	strace s2  }
0x95: {  	s2 =	sld [smem:$0x3FFD];
	_ =	sdelay $0x3  }
0x96: {  	_ =	strace s2  }
0x97: {  	_ =	strace $0x8FFFFFFF  }
0x98: {  	s19 =	sld [smem:$0x3FDB];
	_ =	sdelay $0x1  }
0x99: {  	s20 =	simm.s32 $_scs_section_size  }
0x9a: {  	s4 =	simm.s32 $_size__tile_overlayer_lowered;
	s5 =	simm.s32 $_tile_overlayer_lowered  }
0x9b: {  	s6 =	simm.s32 $0x1BFF;
	s21 =	sshll.u32 s5, $0x1;
	s3 =	sadd.s32 s20, s19  }
0x9c: {  	s22 =	simm.s32 $0x0;
	s4 =	sshll.u32 s4, $0x1;
	s5 =	sadd.s32 s21, s3  }
0x9d: {  	[timem:s22], [sflag:s6] =	dma.local [hbm:s5], s4  }
0x9e: {  	_ =	swait.ge [sflag:s6], s4  }
0x9f: {  	s4 =	ssub.s32 $0x0, s4;
	[sflag:s6] =	ssyncset.done $0x0  }
0xa0: {  	[sflag:s6] =	ssyncadd.s32 s4;
	_ =	sdelay $0x1  }
0xa1: {  	s23 =	simm.s32 $0x1B8B  }
0xa2: {  	_ =	swait.ge [sflag:s23], $0x1  }
0xa3: {  	[sflag:s23] =	ssyncset.done $0x0  }
0xa4: {  	[sflag:s23] =	ssyncadd.s32 $0xFFFFFFFF  }
0xa5: {  	s4 =	sld [smem:$0x0]  }
0xa6: {  	s5 =	sand.u32 $0xFFFFFFFE, s1  }
0xa7: {  	p0 =	sne.s32 s1, s5  }
0xa8: {  	s5 =	sshll.u32 @p0 s5, $0xE  }
0xa9: {  	s5 =	sadd.s32 @p0 $0x11B8D, s5;
	s6 =	sshll.u32 @p0 s4, $0x11  }
0xaa: {  	s5 =	sor.u32 @p0 s6, s5  }
0xab: {  	[sflag:s5] =	ssyncadd.remote.s32 @p0 $0x1;
	_ =	sdelay $0x1  }
0xac: {  	s5 =	simm.s32 @p0 $0x1B8D  }
0xad: {  	_ =	swait.eq @p0 [sflag:s5], $0x1  }
0xae: {  	[sflag:s5] =	ssyncadd.s32 @p0 $0xFFFFFFFF  }
0xaf: {  	s6 =	sshll.u32 @!p0 s1, $0xE  }
0xb0: {  	s6 =	sor.u32 @!p0 $0x4000, s6;
	s5 =	simm.s32 @!p0 $0x1B8D  }
0xb1: {  	s4 =	sshll.u32 @!p0 s4, $0x11;
	s6 =	sadd.s32 @!p0 $0x11B8D, s6;
	_ =	swait.eq @!p0 [sflag:s5], $0x1  }
0xb2: {  	s4 =	sor.u32 @!p0 s4, s6;
	[sflag:s5] =	ssyncadd.s32 @!p0 $0xFFFFFFFF  }
0xb3: {  	s25 =	simm.s32 $0x1B8E;
	s24 =	sld [smem:$0x3FFE];
	[sflag:s4] =	ssyncadd.remote.s32 @!p0 $0x1  }
0xb4: {  	s26 =	simm.s32 $execute0_lowered;
	[smem:$0x3FD2] =	sst s25  }
0xb5: {  	s5 =	sshll.u32 s26, $0x1;
	_ =	strace $0x80000049;
	[dreg:$0x1] =	wrdreg $0xFFFFFFFF  }
0xb6: {  	s28 =	simm.s32 $_size_execute0_lowered;
	s3 =	sadd.s32 s3, s5;
	[dreg:$0x0] =	wrdreg $0x0  }
0xb7: {  	s5 =	sshll.u32 s28, $0x1;
	[dreg:$0x2] =	wrdreg s3  }
0xb8: {  	[dreg:$0x3] =	wrdreg s5  }
0xb9: {  	[dreg:$0x4] =	wrdreg $0xC0  }
0xba: {  	_ =	task [dreg:s22], $0x5FFFF  }
0xbb: {  	[dreg:$0x1] =	wrdreg $0xFFFFFFFF  }
0xbc: {  	[dreg:$0x0] =	wrdreg $0x60  }
0xbd: {  	[dreg:$0x2] =	wrdreg s24  }
0xbe: {  	[dreg:$0x3] =	wrdreg $0xA  }
0xbf: {  	_ =	task.clear_ibuf [dreg:s22], $0x4FFFF;
	_ =	strace $0x90000049  }
0xc0: {  	s29 =	simm.s32 $0xA;
	_ =	strace $0x8000004B  }
0xc1: {  	_ =	swait.ge [sflag:s29], $0x1  }
0xc2: {  	[sflag:s29] =	ssyncadd.s32 $0xFFFFFFFF  }
0xc3: {  	_ =	strace $0x9000004B  }
0xc4: {  	_ =	sfence  }
0xc5: {  	s30 =	sld [smem:$0x0];
	_ =	sdelay $0x2  }
0xc6: {  	s31 =	sshll.u32 s1, $0xD;
	s1 =	sshrl.u32 s1, $0x2  }
0xc7: {  	s4 =	sand.u32 $0x4000, s31;
	s1 =	sadd.s32 s1, s30  }
0xc8: {  	s0 =	sor.u32 s4, s0;
	s1 =	sshll.u32 s1, $0x11  }
0xc9: {  	s0 =	sor.u32 s1, s0  }
0xca: {  	s0 =	sadd.s32 $0x8F2B, s0  }
0xcb: {  	[sflag:s0] =	ssyncadd.remote.s32 $0x1  }
0xcc: {  	_ =	sfence.sel $0xFFFF  }
0xcd: {  	[dreg:$0x0] =	wrdreg $0xFFFFFFFF;
	(pc) =	sbr.abs _section_cstart, $3  }
0xce: {  	[dreg:$0x1] =	wrdreg $0xFFFFFFFF  }
0xcf: {  	_ =	task.clear_ibuf [dreg:s22], $0x2FFFF;
	_ =	strace $0x9FFFFFFF  }
0xd0: {  	(tm) =	ssettm $0x7FFFFFFF  }
0xd1: {  	_ =	shalt  }
tec
execute0_lowered:
.L_overlay_start_1:
0x0: {  	(tag) =	ssettag $0x1  }
0x1: {  	s6 =	rddreg [dreg:$0x0]  }
0x2: {  	s0 =	rddreg [dreg:$0x1];
	s3 =	srdreg.scid  }
0x3: {  	s1 =	stileid.u32;
	s2 =	simm.s32 $0x0;
	s11 =	simm.s32 $0x5  }
0x4: {  	s12 =	simm.s32 $0x500;
	s13 =	simm.s32 $0xA00;
	s14 =	simm.s32 $0xAA00  }
0x5: {  	s15 =	simm.s32 $0x1;
	s16 =	simm.s32 $0x20;
	s17 =	simm.s32 $0x80  }
0x6: {  	s18 =	simm.s32 $0x2;
	s19 =	simm.s32 $0x3;
	s20 =	simm.s32 $0x4  }
0x7: {  	s21 =	simm.s32 $0x0;
	s3 =	sand.u32 $0x1, s3;
	s4 =	sshll.u32 s1, $0x1  }
0x8: {  	[smem:$0x7FF] =	sst s2;
	s5 =	sadd.s32 $0x332E400, s6;
	s4 =	sor.u32 s3, s4  }
0x9: {  	_ =	strace $0x8000004A;
	s7 =	ssub.s32 $0x2, s3;
	s3 =	smul.u32 $0x19000, s4  }
0xa: {  	s4 =	sadd.s32 $0x32CA400, s6;
	s8 =	sshrl.u32 s7, $0x1;
	s6 =	sadd.s32 $0x3390000, s6  }
0xb: {  	s10 =	ssub.s32 s7, s8;
	s31 =	sshrl.u32 s3, $0x3;
	s8 =	sor.u32 $0x500, s3  }
0xc: {  	s9 =	sor.u32 $0xA00, s3;
	s10 =	smax.u32 s10, $0x1;
	s7 =	sadd.s32 s4, s31  }
.LBB2_1:
0xd: {  	[tilespmem:s2], [sflag:$0x5] =	stream.linear.gather [hbm4b:s7+s2], $0x500, $0x38;
	[tilespmem:$0x14A00] =	vst v63  }
0xe: {  	_ =	swait.ge [sflag:s11], $0x500  }
0xf: {  	[sflag:s11] =	ssyncset.done $0x0  }
0x10: {  	s22 =	simm.s32 $0x0;
	[sflag:s11] =	ssyncadd.s32 $0xFFFFFB00  }
0x11: {  	[tilespmem:s13], [sflag:$0x1] =	stream.indirect.gather [hbm4b:s5+s12], $0x20, s2, s12, $0xb8;
	[tilespmem:$0x14A00] =	vst v63  }
.LBB2_2:
0x12: {  	p0 =	seq.s32 s22, $0x0;
	s24 =	smul.u32 $0xA00, s22  }
0x13: {  	s25 =	simm.s32 @!p0 $0x4  }
0x14: {  	_ =	swait.ge @!p0 [sflag:s25], $0xA000;
	s23 =	sadd.s32 s24, s8  }
0x15: {  	[sflag:s25] =	ssyncset.done @!p0 $0x0;
	s26 =	sshrl.u32 s23, $0x3  }
0x16: {  	[sflag:s25] =	ssyncadd.s32 @!p0 $0xFFFF6000;
	s31 =	sadd.s32 s4, s26  }
0x17: {  	[tilespmem:s12], [sflag:$0x5] =	stream.linear.gather [hbm4b:s31+s2], $0x500, $0x38;
	[tilespmem:$0x14A00] =	vst v63  }
0x18: {  	_ =	swait.ge [sflag:s11], $0x500  }
0x19: {  	[sflag:s11] =	ssyncset.done $0x0  }
0x1a: {  	[sflag:s11] =	ssyncadd.s32 $0xFFFFFB00  }
0x1b: {  	[tilespmem:s14], [sflag:$0x2] =	stream.indirect.gather [hbm4b:s5+s12], $0x20, s12, s12, $0xb8;
	[tilespmem:$0x14A00] =	vst v63  }
0x1c: {  	_ =	swait.ge [sflag:s15], $0xA000  }
0x1d: {  	[sflag:s15] =	ssyncset.done $0x0  }
0x1e: {  	s25 =	simm.s32 $0xA80;
	[sflag:s15] =	ssyncadd.s32 $0xFFFF6000  }
0x1f: {  	v0 =	vld [tilespmem:s25+$0x70]  }
0x20: {  	v1 =	vld [tilespmem:s25+$0xFFFFFF90]  }
0x21: {  	v2 =	vld [tilespmem:s25+$0xFFFFFFA0]  }
0x22: {  	v3 =	vld [tilespmem:s25+$0xFFFFFFB0]  }
0x23: {  	v4 =	vld [tilespmem:s25+$0xFFFFFFC0]  }
0x24: {  	v5 =	vld [tilespmem:s25+$0xFFFFFFD0];
	v0 =	vmax.f32 v0, $0.0e+00  }
0x25: {  	v6 =	vld [tilespmem:s25+$0xFFFFFFE0];
	v1 =	vmax.f32 v1, $0.0e+00;
	[tilespmem:s25+$0x70] =	vst v0  }
0x26: {  	[tilespmem:s25+$0xFFFFFF90] =	vst v1;
	v0 =	vmax.f32 v2, $0.0e+00;
	v1 =	vld [tilespmem:s25+$0xFFFFFFF0]  }
0x27: {  	v2 =	vld [tilespmem:s25+$0x0];
	[tilespmem:s25+$0xFFFFFFA0] =	vst v0;
	v0 =	vmax.f32 v3, $0.0e+00  }
0x28: {  	v3 =	vld [tilespmem:s25+$0x10];
	[tilespmem:s25+$0xFFFFFFB0] =	vst v0;
	v0 =	vmax.f32 v4, $0.0e+00  }
0x29: {  	[tilespmem:s25+$0xFFFFFFC0] =	vst v0;
	v0 =	vmax.f32 v5, $0.0e+00;
	v5 =	vld [tilespmem:s25+$0x20]  }
0x2a: {  	v4 =	vmax.f32 v6, $0.0e+00;
	[tilespmem:s25+$0xFFFFFFD0] =	vst v0;
	v0 =	vld [tilespmem:s25+$0x30]  }
0x2b: {  	[tilespmem:s25+$0xFFFFFFE0] =	vst v4;
	v4 =	vmax.f32 v1, $0.0e+00;
	v1 =	vld [tilespmem:s25+$0x40]  }
0x2c: {  	[tilespmem:s25+$0xFFFFFFF0] =	vst v4;
	v4 =	vmax.f32 v2, $0.0e+00;
	v2 =	vld [tilespmem:s25+$0x50]  }
0x2d: {  	v6 =	vmax.f32 v3, $0.0e+00;
	[tilespmem:s25+$0x0] =	vst v4;
	v4 =	vld [tilespmem:s25+$0x60]  }
0x2e: {  	s28 =	simm.s32 $0xB80;
	s26 =	simm.s32 $0x0;
	v3 =	vld [tilespmem:s25+$0xFFFFFF80];
	[tilespmem:s25+$0x10] =	vst v6;
	v5 =	vmax.f32 v5, $0.0e+00  }
.LBB2_3:
0x2f: {  	v6 =	vld [tilespmem:s28+$0x70];
	s26 =	sadd.s32 $0x8, s26;
	[tilespmem:s25+$0x20] =	vst v5;
	v0 =	vmax.f32 v0, $0.0e+00  }
0x30: {  	v5 =	vld [tilespmem:s28+$0xFFFFFF90];
	p0 =	slt.u32 s26, $0x4F8;
	[tilespmem:s25+$0x30] =	vst v0;
	v0 =	vmax.f32 v1, $0.0e+00  }
0x31: {  	v1 =	vld [tilespmem:s28+$0xFFFFFFA0];
	[tilespmem:s25+$0x40] =	vst v0;
	v0 =	vmax.f32 v2, $0.0e+00  }
0x32: {  	v2 =	vld [tilespmem:s28+$0xFFFFFFB0];
	[tilespmem:s25+$0x50] =	vst v0;
	v0 =	vmax.f32 v4, $0.0e+00  }
0x33: {  	v4 =	vld [tilespmem:s28+$0xFFFFFFC0];
	v3 =	vmax.f32 v3, $0.0e+00;
	[tilespmem:s25+$0x60] =	vst v0  }
0x34: {  	v0 =	vld [tilespmem:s28+$0xFFFFFFD0];
	v6 =	vmax.f32 v6, $0.0e+00;
	[tilespmem:s25+$0xFFFFFF80] =	vst v3;
	s25 =	smov.u32 s28  }
0x35: {  	v3 =	vmax.f32 v5, $0.0e+00;
	v5 =	vld [tilespmem:s28+$0xFFFFFFE0];
	[tilespmem:s28+$0x70] =	vst v6  }
0x36: {  	[tilespmem:s28+$0xFFFFFF90] =	vst v3;
	v1 =	vmax.f32 v1, $0.0e+00;
	v3 =	vld [tilespmem:s28+$0xFFFFFFF0]  }
0x37: {  	[tilespmem:s28+$0xFFFFFFA0] =	vst v1;
	v1 =	vmax.f32 v2, $0.0e+00;
	v2 =	vld [tilespmem:s28+$0x0]  }
0x38: {  	[tilespmem:s28+$0xFFFFFFB0] =	vst v1;
	v1 =	vmax.f32 v4, $0.0e+00;
	v4 =	vld [tilespmem:s28+$0x10]  }
0x39: {  	[tilespmem:s28+$0xFFFFFFC0] =	vst v1;
	v0 =	vmax.f32 v0, $0.0e+00;
	v6 =	vld [tilespmem:s28+$0x20]  }
.Ltmp0:
0x3a: {  	[tilespmem:s28+$0xFFFFFFD0] =	vst v0;
	v1 =	vmax.f32 v5, $0.0e+00;
	v0 =	vld [tilespmem:s28+$0x30];
	(pc) =	sbr.rel @p0 .LBB2_3-.Ltmp0, $4  }
0x3b: {  	[tilespmem:s28+$0xFFFFFFE0] =	vst v1;
	v3 =	vmax.f32 v3, $0.0e+00;
	v1 =	vld [tilespmem:s28+$0x40]  }
0x3c: {  	[tilespmem:s28+$0xFFFFFFF0] =	vst v3;
	v3 =	vmax.f32 v2, $0.0e+00;
	v2 =	vld [tilespmem:s28+$0x50]  }
0x3d: {  	[tilespmem:s28+$0x0] =	vst v3;
	v5 =	vmax.f32 v4, $0.0e+00;
	v4 =	vld [tilespmem:s28+$0x60]  }
0x3e: {  	s28 =	sadd.s32 $0x100, s28;
	v3 =	vld [tilespmem:s25+$0xFFFFFF80];
	[tilespmem:s25+$0x10] =	vst v5;
	v5 =	vmax.f32 v6, $0.0e+00  }
0x3f: {  	[tilespmem:s25+$0x20] =	vst v5;
	v0 =	vmax.f32 v0, $0.0e+00  }
0x40: {  	[tilespmem:s25+$0x30] =	vst v0;
	v0 =	vmax.f32 v1, $0.0e+00  }
0x41: {  	[tilespmem:s25+$0x40] =	vst v0;
	v0 =	vmax.f32 v2, $0.0e+00  }
0x42: {  	s26 =	sadd.s32 s3, s24;
	[tilespmem:s25+$0x50] =	vst v0;
	v0 =	vmax.f32 v4, $0.0e+00  }
0x43: {  	p0 =	seq.s32 s22, $0x27;
	s26 =	sshll.u32 s26, $0x4;
	v1 =	vmax.f32 v3, $0.0e+00;
	[tilespmem:s25+$0x60] =	vst v0  }
0x44: {  	s31 =	sadd.s32 s6, s26;
	[tilespmem:s25+$0xFFFFFF80] =	vst v1;
	s25 =	simm.s32 @!p0 $0x3  }
0x45: {  	[hbm4b:s31+s16] =	stream.strided.scatter [tilespmem:s13], [sflag:$0x3], $0xA000, s17, s16, $0x38;
	[tilespmem:$0x14A00] =	vst v63  }
0x46: {  	s24 =	sadd.s32 @!p0 s24, s9;
	_ =	swait.ge @!p0 [sflag:s25], $0xA000  }
0x47: {  	s24 =	sshrl.u32 @!p0 s24, $0x3;
	[sflag:s25] =	ssyncset.done @!p0 $0x0  }
0x48: {  	s24 =	sadd.s32 @!p0 s4, s24;
	[sflag:s25] =	ssyncadd.s32 @!p0 $0xFFFF6000;
	s25 =	simm.s32 @!p0 $0x0  }
0x49: {  	[tilespmem:s25], [sflag:$0x5] =	stream.linear.gather @!p0 [hbm4b:s24+s25], $0x500, $0x38;
	[tilespmem:$0x14A00] =	vst v63  }
0x4a: {  	s24 =	simm.s32 @!p0 $0x5  }
0x4b: {  	_ =	swait.ge @!p0 [sflag:s24], $0x500  }
0x4c: {  	[sflag:s24] =	ssyncset.done @!p0 $0x0  }
0x4d: {  	s26 =	simm.s32 @!p0 $0xA00;
	[sflag:s24] =	ssyncadd.s32 @!p0 $0xFFFFFB00;
	s24 =	simm.s32 @!p0 $0x500  }
0x4e: {  	[tilespmem:s26], [sflag:$0x1] =	stream.indirect.gather @!p0 [hbm4b:s5+s24], $0x20, s25, s24, $0xb8;
	[tilespmem:$0x14A00] =	vst v63  }
0x4f: {  	_ =	swait.ge [sflag:s18], $0xA000  }
0x50: {  	[sflag:s18] =	ssyncset.done $0x0  }
0x51: {  	s24 =	simm.s32 $0xAA00;
	[sflag:s18] =	ssyncadd.s32 $0xFFFF6000  }
0x52: {  	v0 =	vld [tilespmem:s24+$0xF0]  }
0x53: {  	v1 =	vld [tilespmem:s24+$0x10]  }
0x54: {  	v2 =	vld [tilespmem:s24+$0x20]  }
0x55: {  	v3 =	vld [tilespmem:s24+$0x30]  }
0x56: {  	v4 =	vld [tilespmem:s24+$0x40]  }
0x57: {  	v5 =	vld [tilespmem:s24+$0x50];
	v0 =	vmax.f32 v0, $0.0e+00  }
0x58: {  	v6 =	vld [tilespmem:s24+$0x60];
	v1 =	vmax.f32 v1, $0.0e+00;
	[tilespmem:s24+$0xF0] =	vst v0  }
0x59: {  	[tilespmem:s24+$0x10] =	vst v1;
	v0 =	vmax.f32 v2, $0.0e+00;
	v1 =	vld [tilespmem:s24+$0x70]  }
0x5a: {  	v2 =	vld [tilespmem:s24+$0x80];
	[tilespmem:s24+$0x20] =	vst v0;
	v0 =	vmax.f32 v3, $0.0e+00  }
0x5b: {  	v3 =	vld [tilespmem:s24+$0x90];
	[tilespmem:s24+$0x30] =	vst v0;
	v0 =	vmax.f32 v4, $0.0e+00  }
0x5c: {  	[tilespmem:s24+$0x40] =	vst v0;
	v0 =	vmax.f32 v5, $0.0e+00;
	v5 =	vld [tilespmem:s24+$0xA0]  }
0x5d: {  	v4 =	vmax.f32 v6, $0.0e+00;
	[tilespmem:s24+$0x50] =	vst v0;
	v0 =	vld [tilespmem:s24+$0xB0]  }
0x5e: {  	[tilespmem:s24+$0x60] =	vst v4;
	v4 =	vmax.f32 v1, $0.0e+00;
	v1 =	vld [tilespmem:s24+$0xC0]  }
0x5f: {  	[tilespmem:s24+$0x70] =	vst v4;
	v4 =	vmax.f32 v2, $0.0e+00;
	v2 =	vld [tilespmem:s24+$0xD0]  }
0x60: {  	v6 =	vmax.f32 v3, $0.0e+00;
	[tilespmem:s24+$0x80] =	vst v4;
	v4 =	vld [tilespmem:s24+$0xE0]  }
0x61: {  	s25 =	simm.s32 $0x0;
	s26 =	simm.s32 $0xAB00;
	v3 =	vld [tilespmem:s24+$0x0];
	[tilespmem:s24+$0x90] =	vst v6;
	v5 =	vmax.f32 v5, $0.0e+00  }
.LBB2_5:
0x62: {  	v6 =	vld [tilespmem:s26+$0xF0];
	s25 =	sadd.s32 $0x8, s25;
	[tilespmem:s24+$0xA0] =	vst v5;
	v0 =	vmax.f32 v0, $0.0e+00  }
0x63: {  	v5 =	vld [tilespmem:s26+$0x10];
	p0 =	slt.u32 s25, $0x4F8;
	[tilespmem:s24+$0xB0] =	vst v0;
	v0 =	vmax.f32 v1, $0.0e+00  }
0x64: {  	v1 =	vld [tilespmem:s26+$0x20];
	[tilespmem:s24+$0xC0] =	vst v0;
	v0 =	vmax.f32 v2, $0.0e+00  }
0x65: {  	v2 =	vld [tilespmem:s26+$0x30];
	[tilespmem:s24+$0xD0] =	vst v0;
	v0 =	vmax.f32 v4, $0.0e+00  }
0x66: {  	v4 =	vld [tilespmem:s26+$0x40];
	v3 =	vmax.f32 v3, $0.0e+00;
	[tilespmem:s24+$0xE0] =	vst v0  }
0x67: {  	v0 =	vld [tilespmem:s26+$0x50];
	v6 =	vmax.f32 v6, $0.0e+00;
	[tilespmem:s24+$0x0] =	vst v3;
	s24 =	smov.u32 s26  }
0x68: {  	v3 =	vmax.f32 v5, $0.0e+00;
	v5 =	vld [tilespmem:s26+$0x60];
	[tilespmem:s26+$0xF0] =	vst v6  }
0x69: {  	[tilespmem:s26+$0x10] =	vst v3;
	v1 =	vmax.f32 v1, $0.0e+00;
	v3 =	vld [tilespmem:s26+$0x70]  }
0x6a: {  	[tilespmem:s26+$0x20] =	vst v1;
	v1 =	vmax.f32 v2, $0.0e+00;
	v2 =	vld [tilespmem:s26+$0x80]  }
0x6b: {  	[tilespmem:s26+$0x30] =	vst v1;
	v1 =	vmax.f32 v4, $0.0e+00;
	v4 =	vld [tilespmem:s26+$0x90]  }
0x6c: {  	[tilespmem:s26+$0x40] =	vst v1;
	v0 =	vmax.f32 v0, $0.0e+00;
	v6 =	vld [tilespmem:s26+$0xA0]  }
.Ltmp1:
0x6d: {  	[tilespmem:s26+$0x50] =	vst v0;
	v1 =	vmax.f32 v5, $0.0e+00;
	v0 =	vld [tilespmem:s26+$0xB0];
	(pc) =	sbr.rel @p0 .LBB2_5-.Ltmp1, $4  }
0x6e: {  	[tilespmem:s26+$0x60] =	vst v1;
	v3 =	vmax.f32 v3, $0.0e+00;
	v1 =	vld [tilespmem:s26+$0xC0]  }
0x6f: {  	[tilespmem:s26+$0x70] =	vst v3;
	v3 =	vmax.f32 v2, $0.0e+00;
	v2 =	vld [tilespmem:s26+$0xD0]  }
0x70: {  	[tilespmem:s26+$0x80] =	vst v3;
	v5 =	vmax.f32 v4, $0.0e+00;
	v4 =	vld [tilespmem:s26+$0xE0]  }
0x71: {  	s26 =	sadd.s32 $0x100, s26;
	v3 =	vld [tilespmem:s24+$0x0];
	[tilespmem:s24+$0x90] =	vst v5;
	v5 =	vmax.f32 v6, $0.0e+00  }
0x72: {  	[tilespmem:s24+$0xA0] =	vst v5;
	v0 =	vmax.f32 v0, $0.0e+00;
	s22 =	sadd.s32 $0x1, s22  }
0x73: {  	[tilespmem:s24+$0xB0] =	vst v0;
	v60 =	vmax.f32 v1, $0.0e+00;
	p0 =	sne.s32 s22, $0x28  }
.Ltmp2:
0x74: {  	[tilespmem:s24+$0xC0] =	vst v60;
	v61 =	vmax.f32 v2, $0.0e+00;
	(pc) =	sbr.rel @p0 .LBB2_2-.Ltmp2, $4  }
0x75: {  	s23 =	sshll.u32 s23, $0x4;
	[tilespmem:s24+$0xD0] =	vst v61;
	v62 =	vmax.f32 v4, $0.0e+00  }
0x76: {  	s23 =	sand.u32 $0x1FFFF000, s23;
	v63 =	vmax.f32 v3, $0.0e+00;
	[tilespmem:s24+$0xE0] =	vst v62  }
0x77: {  	s23 =	sadd.s32 s6, s23;
	[tilespmem:s24+$0x0] =	vst v63  }
0x78: {  	[hbm4b:s23+s16] =	stream.strided.scatter [tilespmem:s14], [sflag:$0x4], $0xA000, s17, s16, $0x38;
	[tilespmem:$0x14A00] =	vst v63  }
0x79: {  	s21 =	sadd.s32 $0x1, s21  }
0x7a: {  	_ =	swait.ge [sflag:s19], $0xA000;
	p0 =	sne.s32 s21, s10  }
.Ltmp3:
0x7b: {  	[sflag:s19] =	ssyncset.done $0x0;
	(pc) =	sbr.rel @p0 .LBB2_1-.Ltmp3, $4  }
0x7c: {  	[sflag:s19] =	ssyncadd.s32 $0xFFFF6000  }
0x7d: {  	_ =	swait.ge [sflag:s20], $0xA000  }
0x7e: {  	[sflag:s20] =	ssyncset.done $0x0  }
0x7f: {  	[sflag:s20] =	ssyncadd.s32 $0xFFFF6000  }
0x80: {  	_ =	sfence.sel $0x180000  }
0x81: {  	[bflag:$0x0] =	sbarrier.arrive $0xFFFF  }
0x82: {  	p0 =	sne.s32 s1, $0x0;
	_ =	strace $0x9000004A  }
0x83: {  	s0 =	sadd.s32 @!p0 $0x100000, s0;
	[bflag:$0x2] =	sbarrier.arrive $0xFFFF  }
0x84: {  	[sflag:s0] =	ssyncadd.tile.s32 @!p0 $0x1;
	_ =	shalt  }
.Lfunc_end2:
_tile_overlayer_lowered:
.L_overlay_start_2:
0x85: {  	(tag) =	ssettag $0x2  }
0x86: {  	s0 =	rddreg [dreg:$0x0];
	s2 =	stileid.u32  }
0x87: {  	s1 =	rddreg [dreg:$0x1];
	p0 =	sne.s32 s2, $0x0  }
0x88: {  	s3 =	rddreg [dreg:$0x2];
	[bflag:$0x3] =	sbarrier.arrive $0xFFFF;
	s2 =	simm.s32 @!p0 $0x1C05  }
0x89: {  	[timem:s3], [sflag:s2] =	dma.local @!p0 [hbm:s0], s1  }
0x8a: {  	s0 =	simm.s32 @!p0 $0x5  }
0x8b: {  	_ =	swait.ge @!p0 [sflag:s0], s1  }
0x8c: {  	s1 =	ssub.s32 @!p0 $0x0, s1;
	[sflag:s0] =	ssyncset.done @!p0 $0x0  }
0x8d: {  	[sflag:s0] =	ssyncadd.s32 @!p0 s1  }
0x8e: {  	[bflag:$0x3] =	sbarrier.arrive $0xFFFF  }
0x8f: {  	_ =	shalt  }

// kernel: sparse-core-data-format-call.1.cloned.1.call-start
scs
called_computation.1_lowered:
.L_overlay_start_0:
0x0: {  	s2 =	sld [smem:$0x3FD9]  }
0x1: {  	s3 =	sld [smem:$0x3FFE];
	_ =	sdelay $0x1  }
0x2: {  	s1 =	srdreg.scid  }
0x3: {  	s0 =	sand.u32 $0x1, s1  }
0x4: {  	s16 =	sshll.u32 s0, $0xA;
	s2 =	sadd.s32 s3, s2  }
0x5: {  	s2 =	sadd.s32 s2, s16  }
0x6: {  	[smem:$0x3FC3] =	sst s2  }
0x7: {  	_ = 	snop  }
0x8: {  	s2 =	sld [smem:$0x3FD0];
	_ =	sdelay $0x2  }
0x9: {  	s17 =	simm.s32 $0xB;
	s4 =	simm.s32 $0x10  }
0xa: {  	[smem:s4], [sflag:s17] =	dma.local [hbm:s2], $0x1  }
0xb: {  	_ =	swait.eq [sflag:s17], $0x1  }
0xc: {  	[sflag:s17] =	ssyncset.done $0x0  }
0xd: {  	[sflag:s17] =	ssyncadd.s32 $0xFFFFFFFF  }
0xe: {  	s18 =	sld [smem:$0x10];
	(tm) =	ssettm $0x1  }
0xf: {  	s19 =	sld [smem:$0x3FFB];
	_ =	sdelay $0x3  }
0x10: {  	_ =	strace s19  }
0x11: {  	s2 =	sld [smem:$0x3FFC];
	_ =	sdelay $0x3  }
0x12: {  	_ =	strace s2  }
0x13: {  	s2 =	sld [smem:$0x3FFD];
	_ =	sdelay $0x3  }
0x14: {  	_ =	strace s2  }
0x15: {  	_ =	strace $0x8FFFFFFF  }
0x16: {  	s20 =	sld [smem:$0x3FDB];
	_ =	sdelay $0x1  }
0x17: {  	s21 =	simm.s32 $_scs_section_size  }
0x18: {  	s5 =	simm.s32 $_size__tile_overlayer_lowered;
	s6 =	simm.s32 $_tile_overlayer_lowered  }
0x19: {  	s7 =	simm.s32 $0x1BFF;
	s22 =	sshll.u32 s6, $0x1;
	s4 =	sadd.s32 s21, s20  }
0x1a: {  	s23 =	simm.s32 $0x0;
	s5 =	sshll.u32 s5, $0x1;
	s6 =	sadd.s32 s22, s4  }
0x1b: {  	[timem:s23], [sflag:s7] =	dma.local [hbm:s6], s5  }
0x1c: {  	_ =	swait.ge [sflag:s7], s5  }
0x1d: {  	s5 =	ssub.s32 $0x0, s5;
	[sflag:s7] =	ssyncset.done $0x0  }
0x1e: {  	[sflag:s7] =	ssyncadd.s32 s5;
	_ =	sdelay $0x1  }
0x1f: {  	s24 =	simm.s32 $0x1B8B  }
0x20: {  	_ =	swait.ge [sflag:s24], $0x1  }
0x21: {  	[sflag:s24] =	ssyncset.done $0x0  }
0x22: {  	[sflag:s24] =	ssyncadd.s32 $0xFFFFFFFF  }
0x23: {  	s5 =	sld [smem:$0x0]  }
0x24: {  	s6 =	sand.u32 $0xFFFFFFFE, s1  }
0x25: {  	p0 =	sne.s32 s1, s6  }
0x26: {  	s6 =	sshll.u32 @p0 s6, $0xE  }
0x27: {  	s6 =	sadd.s32 @p0 $0x11B8D, s6;
	s7 =	sshll.u32 @p0 s5, $0x11  }
0x28: {  	s6 =	sor.u32 @p0 s7, s6  }
0x29: {  	[sflag:s6] =	ssyncadd.remote.s32 @p0 $0x1;
	_ =	sdelay $0x1  }
0x2a: {  	s6 =	simm.s32 @p0 $0x1B8D  }
0x2b: {  	_ =	swait.eq @p0 [sflag:s6], $0x1  }
0x2c: {  	[sflag:s6] =	ssyncadd.s32 @p0 $0xFFFFFFFF  }
0x2d: {  	s7 =	sshll.u32 @!p0 s1, $0xE  }
0x2e: {  	s7 =	sor.u32 @!p0 $0x4000, s7;
	s6 =	simm.s32 @!p0 $0x1B8D  }
0x2f: {  	s5 =	sshll.u32 @!p0 s5, $0x11;
	s7 =	sadd.s32 @!p0 $0x11B8D, s7;
	_ =	swait.eq @!p0 [sflag:s6], $0x1  }
0x30: {  	s5 =	sor.u32 @!p0 s5, s7;
	[sflag:s6] =	ssyncadd.s32 @!p0 $0xFFFFFFFF  }
0x31: {  	s26 =	simm.s32 $0x1B8E;
	s25 =	sld [smem:$0x3FFE];
	[sflag:s5] =	ssyncadd.remote.s32 @!p0 $0x1  }
0x32: {  	s27 =	simm.s32 $execute0_lowered;
	[smem:$0x3FD2] =	sst s26  }
0x33: {  	s6 =	sshll.u32 s27, $0x1;
	_ =	strace $0x8000004C;
	[dreg:$0x1] =	wrdreg $0xFFFFFFFF  }
0x34: {  	s28 =	simm.s32 $_size_execute0_lowered;
	s4 =	sadd.s32 s4, s6;
	[dreg:$0x0] =	wrdreg $0x0  }
0x35: {  	s6 =	sshll.u32 s28, $0x1;
	[dreg:$0x2] =	wrdreg s4  }
0x36: {  	[dreg:$0x3] =	wrdreg s6  }
0x37: {  	[dreg:$0x4] =	wrdreg $0xC0  }
0x38: {  	_ =	task [dreg:s23], $0x5FFFF  }
0x39: {  	[dreg:$0x1] =	wrdreg $0xFFFFFFFF  }
0x3a: {  	[dreg:$0x0] =	wrdreg $0x60  }
0x3b: {  	[dreg:$0x2] =	wrdreg s25  }
0x3c: {  	[dreg:$0x3] =	wrdreg s18  }
0x3d: {  	[dreg:$0x4] =	wrdreg $0x9  }
0x3e: {  	_ =	task.clear_ibuf [dreg:s23], $0x5FFFF;
	_ =	strace $0x9000004C  }
0x3f: {  	s29 =	simm.s32 $0x9;
	_ =	strace $0x8000004E  }
0x40: {  	_ =	swait.ge [sflag:s29], $0x1  }
0x41: {  	[sflag:s29] =	ssyncadd.s32 $0xFFFFFFFF  }
0x42: {  	_ =	strace $0x9000004E  }
0x43: {  	_ =	sfence  }
0x44: {  	s30 =	sld [smem:$0x0];
	_ =	sdelay $0x2  }
0x45: {  	s31 =	sshll.u32 s1, $0xD;
	s1 =	sshrl.u32 s1, $0x2  }
0x46: {  	s4 =	sand.u32 $0x4000, s31;
	s1 =	sadd.s32 s1, s30  }
0x47: {  	s0 =	sor.u32 s4, s0;
	s1 =	sshll.u32 s1, $0x11  }
0x48: {  	s0 =	sor.u32 s1, s0  }
0x49: {  	s0 =	sadd.s32 $0x8F2B, s0  }
0x4a: {  	[sflag:s0] =	ssyncadd.remote.s32 $0x1  }
0x4b: {  	_ =	sfence.sel $0xFFFF  }
0x4c: {  	[dreg:$0x0] =	wrdreg $0xFFFFFFFF;
	(pc) =	sbr.abs _section_cstart, $3  }
0x4d: {  	[dreg:$0x1] =	wrdreg $0xFFFFFFFF  }
0x4e: {  	_ =	task.clear_ibuf [dreg:s23], $0x2FFFF;
	_ =	strace $0x9FFFFFFF  }
0x4f: {  	(tm) =	ssettm $0x7FFFFFFF  }
tec
execute0_lowered:
.L_overlay_start_1:
0x0: {  	(tag) =	ssettag $0x1  }
0x1: {  	s0 =	srdreg.scid  }
0x2: {  	s1 =	sshll.u32 s0, $0x4  }
0x3: {  	s0 =	stileid.u32;
	s1 =	sand.u32 $0x10, s1  }
0x4: {  	s1 =	sor.u32 s0, s1  }
0x5: {  	s6 =	rddreg [dreg:$0x0];
	s4 =	simm.s32 $0x1;
	s2 =	sshll.u32 s1, $0x7  }
0x6: {  	s7 =	simm.s32 $0x2;
	s12 =	simm.s32 $0x0;
	s1 =	ssub.s32 $0x4000, s2  }
0x7: {  	s8 =	simm.s32 $0x20000;
	s13 =	simm.s32 $0x0;
	s3 =	sand.u32 $0xF80, s1  }
0x8: {  	s9 =	simm.s32 $0x0;
	s5 =	sshrl.u32 s1, $0xC;
	p0 =	sne.s32 s3, $0x0  }
.Ltmp0:
0x9: {  	s1 =	rddreg [dreg:$0x2];
	s4 =	simm.s32 @!p0 $0x0;
	(pc) =	sbr.rel .LBB1_1-.Ltmp0, $4  }
0xa: {  	s11 =	simm.s32 $0x0;
	s3 =	rddreg [dreg:$0x1];
	s5 =	sadd.s32 s4, s5  }
0xb: {  	_ =	strace $0x8000004D;
	s4 =	simm.s32 $0x1;
	s5 =	smul.u32 $0xC8, s5  }
0xc: {  	s6 =	sadd.s32 $0xCA400, s6;
	s10 =	smov.u32 s2;
	[sflag:s4] =	ssyncpa.u1 $0x0  }
0xd: {  	p0 =	por $0x0, $0x0;
	[sflag:s7] =	ssyncpa.u1 $0x0;
	s7 =	sor.u32 $0x1, s5  }
.LBB1_4:
0xe: {  	s16 =	sshll.u32 s13, $0x3;
	s17 =	sand.u32 $0x78, s13  }
0xf: {  	s30 =	sand.u32 $0xF800, s13;
	s12 =	sshll.u32 s12, $0x10;
	s16 =	sand.u32 $0x3C00, s16  }
0x10: {  	s31 =	sand.u32 $0x7, s13;
	s16 =	sor.u32 s17, s16;
	s17 =	sadd.s32 s3, s30  }
0x11: {  	s13 =	sshll.u32 s31, $0x12;
	s16 =	sshrl.u32 s16, $0x3;
	s12 =	sadd.s32 s12, s17  }
0x12: {  	[tilespmem:s15+$0x0 ss:$0x81] =	vst.msk $0xffff, v0;
	s13 =	sor.u32 $0x400, s13;
	s12 =	sadd.s32 s16, s12  }
0x13: {  	[hbm4b:s12+s13] =	stream.strided.scatter [tilespmem:s14], [sflag:$0x2], $0x1000, s8, s13, $0x20;
	[tilespmem:$0x4040] =	vst v63  }
.LBB1_5:
0x14: {  	s14 =	sadd.s32 $0x1, s9  }
0x15: {  	s12 =	sadd.s32 $0x1000, s10;
	s16 =	smov.u32 s10;
	p2 =	sgt.s32 s14, $0xC7  }
0x16: {  	s16 =	smov.u32 @p2 s12  }
0x17: {  	s14 =	simm.s32 @p2 $0x0;
	p2 =	sgt.s32 s16, $0x3FFF  }
0x18: {  	s16 =	smov.u32 @p2 s2;
	p2 =	sne.s32 s11, s7  }
.Ltmp1:
0x19: {  	p1 =	slt.u32 s11, $0x2;
	(pc) =	sbr.rel @!p2 .LBB1_6-.Ltmp1, $4  }
0x1a: {  	s15 =	simm.s32 @!p1 $0x2  }
0x1b: {  	s13 =	smov.u32 s10;
	p0 =	por !p0, !p0;
	_ =	swait.ge @!p1 [sflag:s15], $0x1000  }
0x1c: {  	s12 =	smov.u32 s9;
	[sflag:s15] =	ssyncset.done @!p1 $0x0;
	s9 =	smov.u32 s14  }
0x1d: {  	s11 =	sadd.s32 $0x1, s11;
	[sflag:s15] =	ssyncadd.s32 @!p1 $0xFFFFF000;
	s10 =	smov.u32 s16  }
.LBB1_1:
0x1e: {  	p1 =	sge.u32 s11, s5  }
0x1f: {  	s14 =	sand.u32 @!p1 $0x1FFFFFF, s9  }
0x20: {  	s15 =	smulhi.u32 @!p1 $0x147AE15, s14;
	_ =	sdelay $0x1  }
0x21: {  	s15 =	smul.u32 @!p1 $0xC8, s15  }
0x22: {  	s16 =	sxor.u32 @!p1 $0xFFFFFFFF, s11;
	s17 =	smul.u32 @!p1 $0xC80, s10  }
0x23: {  	s31 =	sadd.s32 $0xFFFFFFFF, s11;
	s16 =	sshll.u32 @!p1 s16, $0xC;
	s14 =	ssub.s32 @!p1 s14, s15  }
0x24: {  	s15 =	sand.u32 @!p1 $0x1000, s16;
	s16 =	sadd.s32 @!p1 s6, s17;
	s14 =	sshll.u32 @!p1 s14, $0x4  }
0x25: {  	s17 =	simm.s32 @!p1 $0x6400;
	s14 =	sadd.s32 @!p1 s14, s16;
	s16 =	simm.s32 @!p1 $0x20  }
0x26: {  	[tilespmem:s15], [sflag:$0x1] =	stream.strided.gather @!p1 [hbm4b:s14+s16], $0x1000, s17, s16, $0x38;
	[tilespmem:$0x4040] =	vst v63  }
0x27: {  	p1 =	sge.u32 s31, s5  }
.Ltmp2:
0x28: {  	_ = 	snop;
	(pc) =	sbr.rel @p1 .LBB1_5-.Ltmp2, $1  }
0x29: {  	_ =	sdelay $0x3  }
0x2a: {  	s14 =	simm.s32 $0x1  }
0x2b: {  	_ =	swait.ge [sflag:s4], $0x1000;
	s14 =	simm.s32 @!p0 $0x0  }
0x2c: {  	[sflag:s4] =	ssyncset.done $0x0;
	s15 =	sshll.u32 s14, $0xC  }
0x2d: {  	[sflag:s4] =	ssyncadd.s32 $0xFFFFF000;
	s18 =	sor.u32 $0x10, s15  }
0x2e: {  	s14 =	smul.u32 $0x4080, s14;
	v1 =	vld [tilespmem:s18+$0x0]  }
0x2f: {  	s30 =	sand.u32 $0x1, s11;
	v0 =	vld [tilespmem:s18+$0xFFFFFFF0]  }
0x30: {  	s15 =	smul.u32 $0x4080, s30;
	s14 =	sshrl.u32 s14, $0x2  }
0x31: {  	s16 =	sor.u32 $0x2000, s14  }
0x32: {  	s31 =	sshrl.u32 s15, $0x2;
	s15 =	sadd.s32 $0x0, s16  }
0x33: {  	s17 =	simm.s32 $0x4;
	s18 =	sadd.s32 $0x20, s18;
	s14 =	sor.u32 $0x2000, s31;
	[tilespmem:s15+$0x810 ss:$0x81] =	vst.msk $0xffff, v1  }
.LBB1_3:
0x34: {  	v1 =	vld [tilespmem:s18+$0x0];
	p1 =	sne.s32 s17, $0x1FC;
	[tilespmem:s15+$0x0 ss:$0x81] =	vst.msk $0xffff, v0;
	s15 =	smov.u32 s17;
	s17 =	sadd.s32 $0x4, s17  }
.Ltmp3:
0x35: {  	v0 =	vld [tilespmem:s18+$0xFFFFFFF0];
	(pc) =	sbr.rel @p1 .LBB1_3-.Ltmp3, $4  }
0x36: {  	_ = 	snop  }
0x37: {  	s15 =	sshra.s32 s15, $0x2  }
0x38: {  	s15 =	sadd.s32 s15, s16  }
0x39: {  	s18 =	sadd.s32 $0x20, s18;
	[tilespmem:s15+$0x810 ss:$0x81] =	vst.msk $0xffff, v1  }
.Ltmp4:
0x3a: {  	_ = 	snop;
	(pc) =	sbr.rel .LBB1_4-.Ltmp4, $1  }
0x3b: {  	_ =	sdelay $0x3  }
.LBB1_6:
0x3c: {  	_ =	sfence.sel $0x180000  }
0x3d: {  	s2 =	simm.s32 $0x1;
	[bflag:$0x0] =	sbarrier.arrive $0xFFFF  }
0x3e: {  	s31 =	simm.s32 $0x2;
	[sflag:s2] =	ssyncpa.u1 $0x1  }
0x3f: {  	[sflag:s31] =	ssyncpa.u1 $0x1  }
0x40: {  	p0 =	sne.s32 s0, $0x0;
	_ =	strace $0x9000004D  }
0x41: {  	s0 =	sadd.s32 @!p0 $0x100000, s1;
	[bflag:$0x2] =	sbarrier.arrive $0xFFFF  }
0x42: {  	[sflag:s0] =	ssyncadd.tile.s32 @!p0 $0x1;
	_ =	shalt  }
.Lfunc_end1:
_tile_overlayer_lowered:
.L_overlay_start_2:
0x43: {  	(tag) =	ssettag $0x2  }
0x44: {  	s0 =	rddreg [dreg:$0x0];
	s2 =	stileid.u32  }
0x45: {  	s1 =	rddreg [dreg:$0x1];
	p0 =	sne.s32 s2, $0x0  }
0x46: {  	s3 =	rddreg [dreg:$0x2];
	[bflag:$0x3] =	sbarrier.arrive $0xFFFF;
	s2 =	simm.s32 @!p0 $0x1C01  }
0x47: {  	[timem:s3], [sflag:s2] =	dma.local @!p0 [hbm:s0], s1  }
0x48: {  	s0 =	simm.s32 @!p0 $0x1  }
0x49: {  	_ =	swait.ge @!p0 [sflag:s0], s1  }
0x4a: {  	s1 =	ssub.s32 @!p0 $0x0, s1;
	[sflag:s0] =	ssyncset.done @!p0 $0x0  }
0x4b: {  	[sflag:s0] =	ssyncadd.s32 @!p0 s1  }
0x4c: {  	[bflag:$0x3] =	sbarrier.arrive $0xFFFF  }
0x4d: {  	_ =	shalt  }

// kernel: sparse-core-data-format-call.cloned.1.call-start
scs
called_computation_lowered:
.L_overlay_start_0:
0x0: {  	s2 =	sld [smem:$0x3FD9]  }
0x1: {  	s3 =	sld [smem:$0x3FFE];
	_ =	sdelay $0x1  }
0x2: {  	s1 =	srdreg.scid  }
0x3: {  	s0 =	sand.u32 $0x1, s1  }
0x4: {  	s16 =	sshll.u32 s0, $0xA;
	s2 =	sadd.s32 s3, s2  }
0x5: {  	s2 =	sadd.s32 s2, s16  }
0x6: {  	[smem:$0x3FC3] =	sst s2  }
0x7: {  	_ = 	snop  }
0x8: {  	s2 =	sld [smem:$0x3FD0];
	_ =	sdelay $0x2  }
0x9: {  	s17 =	simm.s32 $0xB;
	s4 =	simm.s32 $0x10  }
0xa: {  	[smem:s4], [sflag:s17] =	dma.local [hbm:s2], $0x1  }
0xb: {  	_ =	swait.eq [sflag:s17], $0x1  }
0xc: {  	[sflag:s17] =	ssyncset.done $0x0  }
0xd: {  	[sflag:s17] =	ssyncadd.s32 $0xFFFFFFFF  }
0xe: {  	s18 =	sld [smem:$0x11];
	(tm) =	ssettm $0x1  }
0xf: {  	s19 =	sld [smem:$0x3FFB];
	_ =	sdelay $0x3  }
0x10: {  	_ =	strace s19  }
0x11: {  	s2 =	sld [smem:$0x3FFC];
	_ =	sdelay $0x3  }
0x12: {  	_ =	strace s2  }
0x13: {  	s2 =	sld [smem:$0x3FFD];
	_ =	sdelay $0x3  }
0x14: {  	_ =	strace s2  }
0x15: {  	_ =	strace $0x8FFFFFFF  }
0x16: {  	s20 =	sld [smem:$0x3FDB];
	_ =	sdelay $0x1  }
0x17: {  	s21 =	simm.s32 $_scs_section_size  }
0x18: {  	s5 =	simm.s32 $_size__tile_overlayer_lowered;
	s6 =	simm.s32 $_tile_overlayer_lowered  }
0x19: {  	s7 =	simm.s32 $0x1BFF;
	s22 =	sshll.u32 s6, $0x1;
	s4 =	sadd.s32 s21, s20  }
0x1a: {  	s23 =	simm.s32 $0x0;
	s5 =	sshll.u32 s5, $0x1;
	s6 =	sadd.s32 s22, s4  }
0x1b: {  	[timem:s23], [sflag:s7] =	dma.local [hbm:s6], s5  }
0x1c: {  	_ =	swait.ge [sflag:s7], s5  }
0x1d: {  	s5 =	ssub.s32 $0x0, s5;
	[sflag:s7] =	ssyncset.done $0x0  }
0x1e: {  	[sflag:s7] =	ssyncadd.s32 s5;
	_ =	sdelay $0x1  }
0x1f: {  	s24 =	simm.s32 $0x1B8B  }
0x20: {  	_ =	swait.ge [sflag:s24], $0x1  }
0x21: {  	[sflag:s24] =	ssyncset.done $0x0  }
0x22: {  	[sflag:s24] =	ssyncadd.s32 $0xFFFFFFFF  }
0x23: {  	s5 =	sld [smem:$0x0]  }
0x24: {  	s6 =	sand.u32 $0xFFFFFFFE, s1  }
0x25: {  	p0 =	sne.s32 s1, s6  }
0x26: {  	s6 =	sshll.u32 @p0 s6, $0xE  }
0x27: {  	s6 =	sadd.s32 @p0 $0x11B8D, s6;
	s7 =	sshll.u32 @p0 s5, $0x11  }
0x28: {  	s6 =	sor.u32 @p0 s7, s6  }
0x29: {  	[sflag:s6] =	ssyncadd.remote.s32 @p0 $0x1;
	_ =	sdelay $0x1  }
0x2a: {  	s6 =	simm.s32 @p0 $0x1B8D  }
0x2b: {  	_ =	swait.eq @p0 [sflag:s6], $0x1  }
0x2c: {  	[sflag:s6] =	ssyncadd.s32 @p0 $0xFFFFFFFF  }
0x2d: {  	s7 =	sshll.u32 @!p0 s1, $0xE  }
0x2e: {  	s7 =	sor.u32 @!p0 $0x4000, s7;
	s6 =	simm.s32 @!p0 $0x1B8D  }
0x2f: {  	s5 =	sshll.u32 @!p0 s5, $0x11;
	s7 =	sadd.s32 @!p0 $0x11B8D, s7;
	_ =	swait.eq @!p0 [sflag:s6], $0x1  }
0x30: {  	s5 =	sor.u32 @!p0 s5, s7;
	[sflag:s6] =	ssyncadd.s32 @!p0 $0xFFFFFFFF  }
0x31: {  	s26 =	simm.s32 $0x1B8E;
	s25 =	sld [smem:$0x3FFE];
	[sflag:s5] =	ssyncadd.remote.s32 @!p0 $0x1  }
0x32: {  	s27 =	simm.s32 $execute0_lowered;
	[smem:$0x3FD2] =	sst s26  }
0x33: {  	s6 =	sshll.u32 s27, $0x1;
	_ =	strace $0x8000004F;
	[dreg:$0x1] =	wrdreg $0xFFFFFFFF  }
0x34: {  	s28 =	simm.s32 $_size_execute0_lowered;
	s4 =	sadd.s32 s4, s6;
	[dreg:$0x0] =	wrdreg $0x0  }
0x35: {  	s6 =	sshll.u32 s28, $0x1;
	[dreg:$0x2] =	wrdreg s4  }
0x36: {  	[dreg:$0x3] =	wrdreg s6  }
0x37: {  	[dreg:$0x4] =	wrdreg $0xC0  }
0x38: {  	_ =	task [dreg:s23], $0x5FFFF  }
0x39: {  	[dreg:$0x1] =	wrdreg $0xFFFFFFFF  }
0x3a: {  	[dreg:$0x0] =	wrdreg $0x60  }
0x3b: {  	[dreg:$0x2] =	wrdreg s25  }
0x3c: {  	[dreg:$0x3] =	wrdreg s18  }
0x3d: {  	[dreg:$0x4] =	wrdreg $0xA  }
0x3e: {  	_ =	task.clear_ibuf [dreg:s23], $0x5FFFF;
	_ =	strace $0x9000004F  }
0x3f: {  	s29 =	simm.s32 $0xA;
	_ =	strace $0x80000051  }
0x40: {  	_ =	swait.ge [sflag:s29], $0x1  }
0x41: {  	[sflag:s29] =	ssyncadd.s32 $0xFFFFFFFF  }
0x42: {  	_ =	strace $0x90000051  }
0x43: {  	_ =	sfence  }
0x44: {  	s30 =	sld [smem:$0x0];
	_ =	sdelay $0x2  }
0x45: {  	s31 =	sshll.u32 s1, $0xD;
	s1 =	sshrl.u32 s1, $0x2  }
0x46: {  	s4 =	sand.u32 $0x4000, s31;
	s1 =	sadd.s32 s1, s30  }
0x47: {  	s0 =	sor.u32 s4, s0;
	s1 =	sshll.u32 s1, $0x11  }
0x48: {  	s0 =	sor.u32 s1, s0  }
0x49: {  	s0 =	sadd.s32 $0x8F2B, s0  }
0x4a: {  	[sflag:s0] =	ssyncadd.remote.s32 $0x1  }
0x4b: {  	_ =	sfence.sel $0xFFFF  }
0x4c: {  	[dreg:$0x0] =	wrdreg $0xFFFFFFFF;
	(pc) =	sbr.abs _section_cstart, $3  }
0x4d: {  	[dreg:$0x1] =	wrdreg $0xFFFFFFFF  }
0x4e: {  	_ =	task.clear_ibuf [dreg:s23], $0x2FFFF;
	_ =	strace $0x9FFFFFFF  }
0x4f: {  	(tm) =	ssettm $0x7FFFFFFF  }
tec
execute0_lowered:
.L_overlay_start_1:
0x0: {  	(tag) =	ssettag $0x1  }
0x1: {  	s0 =	srdreg.scid  }
0x2: {  	s1 =	sshll.u32 s0, $0x4  }
0x3: {  	s0 =	stileid.u32;
	s1 =	sand.u32 $0x10, s1  }
0x4: {  	s1 =	sor.u32 s0, s1  }
0x5: {  	s6 =	rddreg [dreg:$0x0];
	s4 =	simm.s32 $0x1;
	s2 =	sshll.u32 s1, $0x7  }
0x6: {  	s7 =	simm.s32 $0x2;
	s12 =	simm.s32 $0x0;
	s1 =	ssub.s32 $0x4000, s2  }
0x7: {  	s8 =	simm.s32 $0x20000;
	s13 =	simm.s32 $0x0;
	s3 =	sand.u32 $0xF80, s1  }
0x8: {  	s9 =	simm.s32 $0x0;
	s5 =	sshrl.u32 s1, $0xC;
	p0 =	sne.s32 s3, $0x0  }
.Ltmp0:
0x9: {  	s1 =	rddreg [dreg:$0x2];
	s4 =	simm.s32 @!p0 $0x0;
	(pc) =	sbr.rel .LBB1_1-.Ltmp0, $4  }
0xa: {  	s11 =	simm.s32 $0x0;
	s3 =	rddreg [dreg:$0x1];
	s5 =	sadd.s32 s4, s5  }
0xb: {  	_ =	strace $0x80000050;
	s4 =	simm.s32 $0x1;
	s5 =	smul.u32 $0xC8, s5  }
0xc: {  	s6 =	sadd.s32 $0x3390000, s6;
	s10 =	smov.u32 s2;
	[sflag:s4] =	ssyncpa.u1 $0x0  }
0xd: {  	p0 =	por $0x0, $0x0;
	[sflag:s7] =	ssyncpa.u1 $0x0;
	s7 =	sor.u32 $0x1, s5  }
.LBB1_4:
0xe: {  	s16 =	sshll.u32 s13, $0x3;
	s17 =	sand.u32 $0x78, s13  }
0xf: {  	s30 =	sand.u32 $0xF800, s13;
	s12 =	sshll.u32 s12, $0x10;
	s16 =	sand.u32 $0x3C00, s16  }
0x10: {  	s31 =	sand.u32 $0x7, s13;
	s16 =	sor.u32 s17, s16;
	s17 =	sadd.s32 s3, s30  }
0x11: {  	s13 =	sshll.u32 s31, $0x12;
	s16 =	sshrl.u32 s16, $0x3;
	s12 =	sadd.s32 s12, s17  }
0x12: {  	[tilespmem:s15+$0x0 ss:$0x81] =	vst.msk $0xffff, v0;
	s13 =	sor.u32 $0x400, s13;
	s12 =	sadd.s32 s16, s12  }
0x13: {  	[hbm4b:s12+s13] =	stream.strided.scatter [tilespmem:s14], [sflag:$0x2], $0x1000, s8, s13, $0x20;
	[tilespmem:$0x4040] =	vst v63  }
.LBB1_5:
0x14: {  	s14 =	sadd.s32 $0x1, s9  }
0x15: {  	s12 =	sadd.s32 $0x1000, s10;
	s16 =	smov.u32 s10;
	p2 =	sgt.s32 s14, $0xC7  }
0x16: {  	s16 =	smov.u32 @p2 s12  }
0x17: {  	s14 =	simm.s32 @p2 $0x0;
	p2 =	sgt.s32 s16, $0x3FFF  }
0x18: {  	s16 =	smov.u32 @p2 s2;
	p2 =	sne.s32 s11, s7  }
.Ltmp1:
0x19: {  	p1 =	slt.u32 s11, $0x2;
	(pc) =	sbr.rel @!p2 .LBB1_6-.Ltmp1, $4  }
0x1a: {  	s15 =	simm.s32 @!p1 $0x2  }
0x1b: {  	s13 =	smov.u32 s10;
	p0 =	por !p0, !p0;
	_ =	swait.ge @!p1 [sflag:s15], $0x1000  }
0x1c: {  	s12 =	smov.u32 s9;
	[sflag:s15] =	ssyncset.done @!p1 $0x0;
	s9 =	smov.u32 s14  }
0x1d: {  	s11 =	sadd.s32 $0x1, s11;
	[sflag:s15] =	ssyncadd.s32 @!p1 $0xFFFFF000;
	s10 =	smov.u32 s16  }
.LBB1_1:
0x1e: {  	p1 =	sge.u32 s11, s5  }
0x1f: {  	s14 =	sand.u32 @!p1 $0x1FFFFFF, s9  }
0x20: {  	s15 =	smulhi.u32 @!p1 $0x147AE15, s14;
	_ =	sdelay $0x1  }
0x21: {  	s15 =	smul.u32 @!p1 $0xC8, s15  }
0x22: {  	s16 =	sxor.u32 @!p1 $0xFFFFFFFF, s11;
	s17 =	smul.u32 @!p1 $0xC80, s10  }
0x23: {  	s31 =	sadd.s32 $0xFFFFFFFF, s11;
	s16 =	sshll.u32 @!p1 s16, $0xC;
	s14 =	ssub.s32 @!p1 s14, s15  }
0x24: {  	s15 =	sand.u32 @!p1 $0x1000, s16;
	s16 =	sadd.s32 @!p1 s6, s17;
	s14 =	sshll.u32 @!p1 s14, $0x4  }
0x25: {  	s17 =	simm.s32 @!p1 $0x6400;
	s14 =	sadd.s32 @!p1 s14, s16;
	s16 =	simm.s32 @!p1 $0x20  }
0x26: {  	[tilespmem:s15], [sflag:$0x1] =	stream.strided.gather @!p1 [hbm4b:s14+s16], $0x1000, s17, s16, $0x38;
	[tilespmem:$0x4040] =	vst v63  }
0x27: {  	p1 =	sge.u32 s31, s5  }
.Ltmp2:
0x28: {  	_ = 	snop;
	(pc) =	sbr.rel @p1 .LBB1_5-.Ltmp2, $1  }
0x29: {  	_ =	sdelay $0x3  }
0x2a: {  	s14 =	simm.s32 $0x1  }
0x2b: {  	_ =	swait.ge [sflag:s4], $0x1000;
	s14 =	simm.s32 @!p0 $0x0  }
0x2c: {  	[sflag:s4] =	ssyncset.done $0x0;
	s15 =	sshll.u32 s14, $0xC  }
0x2d: {  	[sflag:s4] =	ssyncadd.s32 $0xFFFFF000;
	s18 =	sor.u32 $0x10, s15  }
0x2e: {  	s14 =	smul.u32 $0x4080, s14;
	v1 =	vld [tilespmem:s18+$0x0]  }
0x2f: {  	s30 =	sand.u32 $0x1, s11;
	v0 =	vld [tilespmem:s18+$0xFFFFFFF0]  }
0x30: {  	s15 =	smul.u32 $0x4080, s30;
	s14 =	sshrl.u32 s14, $0x2  }
0x31: {  	s16 =	sor.u32 $0x2000, s14  }
0x32: {  	s31 =	sshrl.u32 s15, $0x2;
	s15 =	sadd.s32 $0x0, s16  }
0x33: {  	s17 =	simm.s32 $0x4;
	s18 =	sadd.s32 $0x20, s18;
	s14 =	sor.u32 $0x2000, s31;
	[tilespmem:s15+$0x810 ss:$0x81] =	vst.msk $0xffff, v1  }
.LBB1_3:
0x34: {  	v1 =	vld [tilespmem:s18+$0x0];
	p1 =	sne.s32 s17, $0x1FC;
	[tilespmem:s15+$0x0 ss:$0x81] =	vst.msk $0xffff, v0;
	s15 =	smov.u32 s17;
	s17 =	sadd.s32 $0x4, s17  }
.Ltmp3:
0x35: {  	v0 =	vld [tilespmem:s18+$0xFFFFFFF0];
	(pc) =	sbr.rel @p1 .LBB1_3-.Ltmp3, $4  }
0x36: {  	_ = 	snop  }
0x37: {  	s15 =	sshra.s32 s15, $0x2  }
0x38: {  	s15 =	sadd.s32 s15, s16  }
0x39: {  	s18 =	sadd.s32 $0x20, s18;
	[tilespmem:s15+$0x810 ss:$0x81] =	vst.msk $0xffff, v1  }
.Ltmp4:
0x3a: {  	_ = 	snop;
	(pc) =	sbr.rel .LBB1_4-.Ltmp4, $1  }
0x3b: {  	_ =	sdelay $0x3  }
.LBB1_6:
0x3c: {  	_ =	sfence.sel $0x180000  }
0x3d: {  	s2 =	simm.s32 $0x1;
	[bflag:$0x0] =	sbarrier.arrive $0xFFFF  }
0x3e: {  	s31 =	simm.s32 $0x2;
	[sflag:s2] =	ssyncpa.u1 $0x1  }
0x3f: {  	[sflag:s31] =	ssyncpa.u1 $0x1  }
0x40: {  	p0 =	sne.s32 s0, $0x0;
	_ =	strace $0x90000050  }
0x41: {  	s0 =	sadd.s32 @!p0 $0x100000, s1;
	[bflag:$0x2] =	sbarrier.arrive $0xFFFF  }
0x42: {  	[sflag:s0] =	ssyncadd.tile.s32 @!p0 $0x1;
	_ =	shalt  }
.Lfunc_end1:
_tile_overlayer_lowered:
.L_overlay_start_2:
0x43: {  	(tag) =	ssettag $0x2  }
0x44: {  	s0 =	rddreg [dreg:$0x0];
	s2 =	stileid.u32  }
0x45: {  	s1 =	rddreg [dreg:$0x1];
	p0 =	sne.s32 s2, $0x0  }
0x46: {  	s3 =	rddreg [dreg:$0x2];
	[bflag:$0x3] =	sbarrier.arrive $0xFFFF;
	s2 =	simm.s32 @!p0 $0x1C01  }
0x47: {  	[timem:s3], [sflag:s2] =	dma.local @!p0 [hbm:s0], s1  }
0x48: {  	s0 =	simm.s32 @!p0 $0x1  }
0x49: {  	_ =	swait.ge @!p0 [sflag:s0], s1  }
0x4a: {  	s1 =	ssub.s32 @!p0 $0x0, s1;
	[sflag:s0] =	ssyncset.done @!p0 $0x0  }
0x4b: {  	[sflag:s0] =	ssyncadd.s32 @!p0 s1  }
0x4c: {  	[bflag:$0x3] =	sbarrier.arrive $0xFFFF  }
0x4d: {  	_ =	shalt  }

</sc_bundles>
